<compile_context>
chip_gen: v7x
topology: tpu7x:2x2x1
jax: 0.10.2.dev20260603
libtpu: 0.0.44.dev20260713+nightly
codegen_flags: <defaults>
</compile_context>

<pallas_src>
import functools

import numpy as np
import jax
from jax import lax
import jax.numpy as jnp
from jax.experimental import pallas as pl
from jax.experimental.pallas import tpu as pltpu
from jax.experimental.pallas import tpu_sc as plsc

UNITS = 1024
IN_F = 2048
K_CONNECT = 16
N_TOKENS = 4096

SC_ROWS = 256

_NUM_CORES = 2
_NUM_SUBCORES = 16
_LANES = 16
_NW = _NUM_CORES * _NUM_SUBCORES
_NV = IN_F // _LANES


def _threefry2x32(k0, k1, x0, x1):
    rot = [[13, 15, 26, 6], [17, 29, 16, 24]]
    ks = [np.uint32(k0), np.uint32(k1),
          np.uint32(k0) ^ np.uint32(k1) ^ np.uint32(0x1BD11BDA)]
    x0 = (x0 + ks[0]).astype(np.uint32)
    x1 = (x1 + ks[1]).astype(np.uint32)
    for i in range(5):
        for r in rot[i % 2]:
            x0 = (x0 + x1).astype(np.uint32)
            x1 = ((x1 << np.uint32(r)) | (x1 >> np.uint32(32 - r))).astype(np.uint32)
            x1 = x1 ^ x0
        x0 = (x0 + ks[(i + 1) % 3]).astype(np.uint32)
        x1 = (x1 + ks[(i + 2) % 3] + np.uint32(i + 1)).astype(np.uint32)
    return x0, x1


def _gumbel_noise() -> np.ndarray:
    n = UNITS * IN_F
    o0, o1 = _threefry2x32(0, 42, np.zeros(n, np.uint32),
                           np.arange(n, dtype=np.uint32))
    bits = o0 ^ o1
    f = ((bits >> np.uint32(9)) | np.uint32(0x3F800000)).view(np.float32)
    u = np.maximum(np.float32(0.0), f - np.float32(1.0))
    gn = -0.001 * np.log(-np.log(u + np.float32(1e-20)) + np.float32(1e-20),
                         dtype=np.float32)
    return gn.astype(np.float32).reshape(UNITS, IN_F)


_GN = _gumbel_noise()


def _sc_mask_body(rows_per_w, d_hbm, gn_hbm, w_hbm, m_hbm,
                  d_v, gn_v, w_v, m_v, p_v, sem_in, sem_out):
    wid = lax.axis_index("s") * _NUM_CORES + lax.axis_index("c")
    row0 = wid * rows_per_w

    def in_copies(r, slot):
        row = row0 + r
        return (
            pltpu.make_async_copy(d_hbm.at[row], d_v.at[slot], sem_in),
            pltpu.make_async_copy(gn_hbm.at[row], gn_v.at[slot], sem_in),
            pltpu.make_async_copy(w_hbm.at[row], w_v.at[slot], sem_in),
        )

    def out_copy(r, slot):
        return pltpu.make_async_copy(m_v.at[slot], m_hbm.at[row0 + r], sem_out)

    for c in in_copies(0, 0):
        c.start()

    def row_body(r, carry):
        slot = r % 2

        @pl.when(r + 1 < rows_per_w)
        def _():
            for c in in_copies(r + 1, (r + 1) % 2):
                c.start()

        for c in in_copies(r, slot):
            c.wait()

        def p1_body(i, ctop):
            ps = []
            for jj in range(4):
                sl = pl.ds((4 * i + jj) * _LANES, _LANES)
                p = d_v[slot, sl] + gn_v[slot, sl]
                p_v[sl] = p
                ps.append(p)
            s0a, _ = plsc.sort_key_val(ps[0], ps[0], descending=False)
            s1d, _ = plsc.sort_key_val(ps[1], ps[1], descending=True)
            m01 = jnp.maximum(s0a, s1d)
            s2a, _ = plsc.sort_key_val(ps[2], ps[2], descending=False)
            s3d, _ = plsc.sort_key_val(ps[3], ps[3], descending=True)
            m23 = jnp.maximum(s2a, s3d)
            a01, _ = plsc.sort_key_val(m01, m01, descending=False)
            d23, _ = plsc.sort_key_val(m23, m23, descending=True)
            m = jnp.maximum(a01, d23)
            md, _ = plsc.sort_key_val(m, m, descending=True)
            m2 = jnp.maximum(ctop, md)
            ctop, _ = plsc.sort_key_val(m2, m2, descending=False)
            return ctop
        c0 = jnp.full((_LANES,), -jnp.inf, jnp.float32)
        ctop = lax.fori_loop(0, _NV // 4, p1_body, c0)
        t = jnp.min(ctop)
        tvec = jnp.full((_LANES,), t, jnp.float32)

        gv = plsc.all_reduce_population_count(ctop > tvec)
        limv = jnp.full((_LANES,), K_CONNECT, jnp.int32) - gv

        @pl.when(r >= 2)
        def _():
            out_copy(r - 2, slot).wait()

        def p3_body(i, rv):
            for jj in range(4):
                sl = pl.ds((4 * i + jj) * _LANES, _LANES)
                p = p_v[sl]
                eq = p == tvec
                pref = plsc.cumsum(jnp.where(eq, 1, 0))
                sel = (p > tvec) | (eq & ((pref + rv) <= limv))
                sgn = jnp.sign(w_v[slot, sl])
                m_v[slot, sl] = jnp.where(sel, sgn, 0.0)
                rv = rv + plsc.all_reduce_population_count(eq)
            return rv
        lax.fori_loop(0, _NV // 4, p3_body, jnp.zeros((_LANES,), jnp.int32))

        out_copy(r, slot).start()
        return carry

    lax.fori_loop(0, rows_per_w, row_body, jnp.int32(0))
    out_copy(rows_per_w - 2, 0).wait()
    out_copy(rows_per_w - 1, 1).wait()


def _sc_mask(D, gn, W, nrows):
    mesh = plsc.VectorSubcoreMesh(core_axis_name="c", subcore_axis_name="s")
    f = functools.partial(
        pl.kernel,
        out_type=jax.ShapeDtypeStruct((nrows, IN_F), jnp.float32),
        mesh=mesh,
        scratch_types=[
            pltpu.VMEM((2, IN_F), jnp.float32),
            pltpu.VMEM((2, IN_F), jnp.float32),
            pltpu.VMEM((2, IN_F), jnp.float32),
            pltpu.VMEM((2, IN_F), jnp.float32),
            pltpu.VMEM((IN_F,), jnp.float32),
            pltpu.SemaphoreType.DMA,
            pltpu.SemaphoreType.DMA,
        ],
        compiler_params=pltpu.CompilerParams(needs_layout_passes=False),
        cost_estimate=pl.CostEstimate(
            flops=400_000_000, transcendentals=0,
            bytes_accessed=4 * nrows * IN_F * 4),
    )(functools.partial(_sc_mask_body, nrows // _NW))
    return f(D, gn, W)


def _tc_mask_kernel(d_ref, gn_ref, w_ref, m_ref):
    p0 = d_ref[...] + gn_ref[...]
    p = p0
    neg = jnp.float32(-jnp.inf)
    kf = jnp.float32(K_CONNECT)
    acc = jnp.zeros((p0.shape[0], 1), jnp.float32)
    t = jnp.full((p0.shape[0], 1), neg)
    g = jnp.zeros((p0.shape[0], 1), jnp.float32)
    for _ in range(K_CONNECT):
        v = jnp.max(p, axis=1, keepdims=True)
        eq = p == v
        c = jnp.sum(eq.astype(jnp.float32), axis=1, keepdims=True)
        acc_n = acc + c
        cross = (acc < kf) & (acc_n >= kf)
        t = jnp.where(cross, v, t)
        g = jnp.where(cross, acc, g)
        p = jnp.where(eq, neg, p)
        acc = acc_n
    eq_t = p0 == t
    cum = eq_t.astype(jnp.float32)
    rows = cum.shape[0]
    s = 1
    while s < IN_F:
        shifted = jnp.concatenate(
            [jnp.zeros((rows, s), jnp.float32), cum[:, :-s]], axis=1)
        cum = cum + shifted
        s *= 2
    keep = (p0 > t) | (eq_t & (cum + g <= kf))
    m_ref[...] = jnp.where(keep, jnp.sign(w_ref[...]), 0.0)


def _matmul_kernel(x_ref, m_ref, o_ref):
    o_ref[...] = jax.lax.dot_general(
        x_ref[...].astype(jnp.bfloat16), m_ref[...].astype(jnp.bfloat16),
        dimension_numbers=(((1,), (1,)), ((), ())),
        preferred_element_type=jnp.float32,
    )


@jax.jit
def kernel(x, W, D):
    gn = jnp.asarray(_GN)
    m_sc = _sc_mask(D, gn, W, SC_ROWS)

    TC_ROWS = UNITS - SC_ROWS
    BR = 128
    OFF = SC_ROWS // BR
    m_tc = pl.pallas_call(
        _tc_mask_kernel,
        grid=(TC_ROWS // BR,),
        in_specs=[
            pl.BlockSpec((BR, IN_F), lambda i: (i + OFF, 0)),
            pl.BlockSpec((BR, IN_F), lambda i: (i + OFF, 0)),
            pl.BlockSpec((BR, IN_F), lambda i: (i + OFF, 0)),
        ],
        out_specs=pl.BlockSpec((BR, IN_F), lambda i: (i, 0)),
        out_shape=jax.ShapeDtypeStruct((TC_ROWS, IN_F), jnp.float32),
    )(D, gn, W)

    m = jnp.concatenate([m_sc, m_tc], axis=0)

    BM, BN = 1024, 1024
    y = pl.pallas_call(
        _matmul_kernel,
        grid=(N_TOKENS // BM, UNITS // BN),
        in_specs=[
            pl.BlockSpec((BM, IN_F), lambda i, j: (i, 0)),
            pl.BlockSpec((BN, IN_F), lambda i, j: (j, 0)),
        ],
        out_specs=pl.BlockSpec((BM, BN), lambda i, j: (i, j)),
        out_shape=jax.ShapeDtypeStruct((N_TOKENS, UNITS), jnp.float32),
    )(x, m)
    return y

# --- scband reference (transcript-rebuilt; emitter-appended) ---
"""Pipeline reference for scband-bin-sparseconnect-layer-9088150798855 (READ-ONLY COPY).

The authoritative reference and input builder live on the scoring server;
editing this copy changes nothing except your own understanding.
"""

import jax, jax.numpy as jnp
import numpy as np

UNITS = 1024
IN_F = 2048
K_CONNECT = 16
TEMP_INCR = 5.0
N_TOKENS = 4096


def hard_sigmoid(x):
    # keras hard_sigmoid: clip(0.2*x + 0.5, 0, 1)
    return jnp.clip(0.2 * x + 0.5, 0.0, 1.0)


def setup_inputs(seed: int = 0) -> dict:
    key = jax.random.key(seed)
    k1, k2, k3 = jax.random.split(key, 3)
    x = jax.random.normal(k1, (N_TOKENS, IN_F), dtype=jnp.float32)
    # he_uniform init for W, shape (units, in_features), fan_in = IN_F
    limit = float(np.sqrt(6.0 / IN_F))
    W = jax.random.uniform(k2, (UNITS, IN_F), minval=-limit, maxval=limit, dtype=jnp.float32)
    # TrainableLogits D ~ Normal(0, 0.5)
    D = 0.5 * jax.random.normal(k3, (UNITS, IN_F), dtype=jnp.float32)
    return {"x": x, "W": W, "D": D}


def reference(x, W, D):
    BS = 1
    units, in_f = D.shape
    k = K_CONNECT
    # step=0 -> epoch=0; temperature at initial step assumed tempIncr
    Temp = TEMP_INCR
    gkey = jax.random.key(42)
    u = jax.random.uniform(gkey, (BS, units, in_f), dtype=jnp.float32)
    GN = -0.001 * jnp.log(-jnp.log(u + 1e-20) + 1e-20)
    logits = D
    perturbedLog = logits[None, :, :] + GN  # (BS, units, in_f)
    # tf.nn.top_k -> indices of k largest; then top_k over indices + reverse == ascending sort of indices
    _, idx = jax.lax.top_k(perturbedLog, k)
    topk_idx = jnp.sort(idx, axis=-1)  # (BS, units, k)
    hardSamples = jax.nn.one_hot(topk_idx, in_f, dtype=jnp.float32)  # (BS, units, k, in_f)
    prob_exp = jnp.broadcast_to(jnp.exp(logits)[None, :, None, :], (BS, units, k, in_f))
    # exclusive cumsum along the k axis
    cumMask = jnp.cumsum(hardSamples, axis=-2) - hardSamples
    softSamples = jax.nn.softmax(
        (jnp.log(prob_exp * (1.0 - cumMask + 1e-20)) + GN[:, :, None, :]) / Temp,
        axis=-1,
    )
    A4 = jax.lax.stop_gradient(hardSamples - softSamples) + softSamples
    A = A4.sum(axis=-2).sum(axis=0)  # (units, in_f)
    # binarized weights via straight-through estimator
    tensor_1 = jnp.sign(W)
    tensor_2 = 2.0 * hard_sigmoid(W) - 1.0
    w_bin = jax.lax.stop_gradient(tensor_1 - tensor_2) + tensor_2
    AW = A * w_bin  # (units, in_f)
    y = x @ AW.T  # (N_TOKENS, units)
    # activation is None -> identity
    return y

if __name__ == "__main__":
    import jax
    _d = setup_inputs()
    print(jax.jit(kernel)(*tuple(_d.values())))

</pallas_src>

<mosaic_0001>
#map = affine_map<(d0, d1) -> (0, 0)>
module attributes {stable_mosaic.version = 14 : i64} {
  func.func @_sc_mask_body(%arg0: i32, %arg1: i32, %arg2: memref<1024x2048xf32, #tpu.memory_space<hbm>>, %arg3: memref<1024x2048xf32, #tpu.memory_space<hbm>>, %arg4: memref<1024x2048xf32, #tpu.memory_space<hbm>>, %arg5: memref<256x2048xf32, #tpu.memory_space<hbm>>, %arg6: memref<2x2048xf32, #tpu.memory_space<vmem>>, %arg7: memref<2x2048xf32, #tpu.memory_space<vmem>>, %arg8: memref<2x2048xf32, #tpu.memory_space<vmem>>, %arg9: memref<2x2048xf32, #tpu.memory_space<vmem>>, %arg10: memref<2048xf32, #tpu.memory_space<vmem>>, %arg11: memref<!tpu.dma_semaphore, #tpu.memory_space<semaphore_mem>>, %arg12: memref<!tpu.dma_semaphore, #tpu.memory_space<semaphore_mem>>) attributes {dimension_semantics = [#tpu.dimension_semantics<core_parallel>, #tpu.dimension_semantics<subcore_parallel>], iteration_bounds = array<i64: 2, 16>, scalar_prefetch = 0 : i64, scratch_operands = 7 : i64, tpu.core_type = #tpu.core_type<sc_vector_subcore>, window_params = [{transform_indices = #map}, {transform_indices = #map}, {transform_indices = #map}, {transform_indices = #map}]} {
    %mul3A = arith.constant 2 : i32
    %mul3A_0 = arith.muli %arg1, %mul3A : i32
    %add3A = arith.addi %mul3A_0, %arg0 : i32
    %mul3A_1 = arith.constant 8 : i32
    %mul3A_2 = arith.muli %add3A, %mul3A_1 : i32
    %add3A_3 = arith.constant 0 : i32
    %add3A_4 = arith.addi %mul3A_2, %add3A_3 : i32
    %dma_start3A = arith.constant 0 : i32
    %dma_start3A_5 = arith.constant 0 : i32
    %dma_start3A_6 = tpu.memref_slice %arg6[%dma_start3A, %dma_start3A_5] : memref<2x2048xf32, #tpu.memory_space<vmem>> -> memref<1x2048xf32, #tpu.memory_space<vmem>>
    %dma_start3A_7 = tpu.memref_squeeze %dma_start3A_6 : memref<1x2048xf32, #tpu.memory_space<vmem>> -> memref<2048xf32, #tpu.memory_space<vmem>>
    %dma_start3A_8 = arith.constant 0 : i32
    %dma_start3A_9 = tpu.memref_slice %arg2[%add3A_4, %dma_start3A_8] : memref<1024x2048xf32, #tpu.memory_space<hbm>> -> memref<1x2048xf32, #tpu.memory_space<hbm>>
    %dma_start3A_10 = tpu.memref_squeeze %dma_start3A_9 : memref<1x2048xf32, #tpu.memory_space<hbm>> -> memref<2048xf32, #tpu.memory_space<hbm>>
    %dma_start3A_11 = arith.constant 0 : i32
    %dma_start3A_12 = tpu.memref_slice %arg6[%dma_start3A, %dma_start3A_11] : memref<2x2048xf32, #tpu.memory_space<vmem>> -> memref<1x2048xf32, #tpu.memory_space<vmem>>
    %dma_start3A_13 = tpu.memref_squeeze %dma_start3A_12 : memref<1x2048xf32, #tpu.memory_space<vmem>> -> memref<2048xf32, #tpu.memory_space<vmem>>
    %dma_start3A_14 = arith.constant 0 : i32
    %dma_start3A_15 = tpu.memref_slice %arg2[%add3A_4, %dma_start3A_14] : memref<1024x2048xf32, #tpu.memory_space<hbm>> -> memref<1x2048xf32, #tpu.memory_space<hbm>>
    %dma_start3A_16 = tpu.memref_squeeze %dma_start3A_15 : memref<1x2048xf32, #tpu.memory_space<hbm>> -> memref<2048xf32, #tpu.memory_space<hbm>>
    tpu.enqueue_dma source(%dma_start3A_16 : memref<2048xf32, #tpu.memory_space<hbm>>) target(%dma_start3A_13 : memref<2048xf32, #tpu.memory_space<vmem>>) target_semaphore(%arg11 : memref<!tpu.dma_semaphore, #tpu.memory_space<semaphore_mem>>)
    %dma_start3A_17 = arith.constant 0 : i32
    %dma_start3A_18 = arith.constant 0 : i32
    %dma_start3A_19 = tpu.memref_slice %arg7[%dma_start3A_17, %dma_start3A_18] : memref<2x2048xf32, #tpu.memory_space<vmem>> -> memref<1x2048xf32, #tpu.memory_space<vmem>>
    %dma_start3A_20 = tpu.memref_squeeze %dma_start3A_19 : memref<1x2048xf32, #tpu.memory_space<vmem>> -> memref<2048xf32, #tpu.memory_space<vmem>>
    %dma_start3A_21 = arith.constant 0 : i32
    %dma_start3A_22 = tpu.memref_slice %arg3[%add3A_4, %dma_start3A_21] : memref<1024x2048xf32, #tpu.memory_space<hbm>> -> memref<1x2048xf32, #tpu.memory_space<hbm>>
    %dma_start3A_23 = tpu.memref_squeeze %dma_start3A_22 : memref<1x2048xf32, #tpu.memory_space<hbm>> -> memref<2048xf32, #tpu.memory_space<hbm>>
    %dma_start3A_24 = arith.constant 0 : i32
    %dma_start3A_25 = tpu.memref_slice %arg7[%dma_start3A_17, %dma_start3A_24] : memref<2x2048xf32, #tpu.memory_space<vmem>> -> memref<1x2048xf32, #tpu.memory_space<vmem>>
    %dma_start3A_26 = tpu.memref_squeeze %dma_start3A_25 : memref<1x2048xf32, #tpu.memory_space<vmem>> -> memref<2048xf32, #tpu.memory_space<vmem>>
    %dma_start3A_27 = arith.constant 0 : i32
    %dma_start3A_28 = tpu.memref_slice %arg3[%add3A_4, %dma_start3A_27] : memref<1024x2048xf32, #tpu.memory_space<hbm>> -> memref<1x2048xf32, #tpu.memory_space<hbm>>
    %dma_start3A_29 = tpu.memref_squeeze %dma_start3A_28 : memref<1x2048xf32, #tpu.memory_space<hbm>> -> memref<2048xf32, #tpu.memory_space<hbm>>
    tpu.enqueue_dma source(%dma_start3A_29 : memref<2048xf32, #tpu.memory_space<hbm>>) target(%dma_start3A_26 : memref<2048xf32, #tpu.memory_space<vmem>>) target_semaphore(%arg11 : memref<!tpu.dma_semaphore, #tpu.memory_space<semaphore_mem>>)
    %dma_start3A_30 = arith.constant 0 : i32
    %dma_start3A_31 = arith.constant 0 : i32
    %dma_start3A_32 = tpu.memref_slice %arg8[%dma_start3A_30, %dma_start3A_31] : memref<2x2048xf32, #tpu.memory_space<vmem>> -> memref<1x2048xf32, #tpu.memory_space<vmem>>
    %dma_start3A_33 = tpu.memref_squeeze %dma_start3A_32 : memref<1x2048xf32, #tpu.memory_space<vmem>> -> memref<2048xf32, #tpu.memory_space<vmem>>
    %dma_start3A_34 = arith.constant 0 : i32
    %dma_start3A_35 = tpu.memref_slice %arg4[%add3A_4, %dma_start3A_34] : memref<1024x2048xf32, #tpu.memory_space<hbm>> -> memref<1x2048xf32, #tpu.memory_space<hbm>>
    %dma_start3A_36 = tpu.memref_squeeze %dma_start3A_35 : memref<1x2048xf32, #tpu.memory_space<hbm>> -> memref<2048xf32, #tpu.memory_space<hbm>>
    %dma_start3A_37 = arith.constant 0 : i32
    %dma_start3A_38 = tpu.memref_slice %arg8[%dma_start3A_30, %dma_start3A_37] : memref<2x2048xf32, #tpu.memory_space<vmem>> -> memref<1x2048xf32, #tpu.memory_space<vmem>>
    %dma_start3A_39 = tpu.memref_squeeze %dma_start3A_38 : memref<1x2048xf32, #tpu.memory_space<vmem>> -> memref<2048xf32, #tpu.memory_space<vmem>>
    %dma_start3A_40 = arith.constant 0 : i32
    %dma_start3A_41 = tpu.memref_slice %arg4[%add3A_4, %dma_start3A_40] : memref<1024x2048xf32, #tpu.memory_space<hbm>> -> memref<1x2048xf32, #tpu.memory_space<hbm>>
    %dma_start3A_42 = tpu.memref_squeeze %dma_start3A_41 : memref<1x2048xf32, #tpu.memory_space<hbm>> -> memref<2048xf32, #tpu.memory_space<hbm>>
    tpu.enqueue_dma source(%dma_start3A_42 : memref<2048xf32, #tpu.memory_space<hbm>>) target(%dma_start3A_39 : memref<2048xf32, #tpu.memory_space<vmem>>) target_semaphore(%arg11 : memref<!tpu.dma_semaphore, #tpu.memory_space<semaphore_mem>>)
    %scan3A = arith.constant 0 : i32
    %scan3A_43 = arith.constant 0 : i32
    %scan3A_44 = arith.constant 8 : i32
    %scan3A_45 = arith.addi %scan3A_43, %scan3A_44 : i32
    %scan3A_46 = arith.constant 1 : i32
    scf.for %scan3A_77 = %scan3A_43 to %scan3A_45 step %scan3A_46  : i32 {
      %jit3A = arith.constant 2 : i32
      %eq3A = arith.constant 0 : i32
      %eq3A_78 = arith.cmpi eq, %jit3A, %eq3A : i32
      %jit3A_79 = arith.constant 1 : i32
      %select_n3A = arith.select %eq3A_78, %jit3A_79, %jit3A : i32
      %rem3A = arith.remsi %scan3A_77, %select_n3A : i32
      %ne3A = arith.constant 0 : i32
      %ne3A_80 = arith.cmpi ne, %rem3A, %ne3A : i32
      %lt3A = arith.constant 0 : i32
      %lt3A_81 = arith.cmpi slt, %rem3A, %lt3A : i32
      %lt3A_82 = arith.constant 0 : i32
      %lt3A_83 = arith.cmpi slt, %select_n3A, %lt3A_82 : i32
      %ne3A_84 = arith.xori %lt3A_81, %lt3A_83 : i1
      %and3A = arith.andi %ne3A_84, %ne3A_80 : i1
      %add3A_85 = arith.addi %rem3A, %select_n3A : i32
      %select_n3A_86 = arith.select %and3A, %add3A_85, %rem3A : i32
      %add3A_87 = arith.constant 1 : i32
      %add3A_88 = arith.addi %scan3A_77, %add3A_87 : i32
      %lt3A_89 = arith.constant 8 : i32
      %lt3A_90 = arith.cmpi slt, %add3A_88, %lt3A_89 : i32
      %convert_element_type3A = arith.extui %lt3A_90 : i1 to i32
      %cond3A = arith.constant 0 : i32
      %cond3A_91 = arith.cmpi ne, %convert_element_type3A, %cond3A : i32
      scf.if %cond3A_91 {
        %add3A_167 = arith.constant 1 : i32
        %add3A_168 = arith.addi %scan3A_77, %add3A_167 : i32
        %add3A_169 = arith.constant 1 : i32
        %add3A_170 = arith.addi %scan3A_77, %add3A_169 : i32
        %jit3A_171 = arith.constant 2 : i32
        %eq3A_172 = arith.constant 0 : i32
        %eq3A_173 = arith.cmpi eq, %jit3A_171, %eq3A_172 : i32
        %jit3A_174 = arith.constant 1 : i32
        %select_n3A_175 = arith.select %eq3A_173, %jit3A_174, %jit3A_171 : i32
        %rem3A_176 = arith.remsi %add3A_170, %select_n3A_175 : i32
        %ne3A_177 = arith.constant 0 : i32
        %ne3A_178 = arith.cmpi ne, %rem3A_176, %ne3A_177 : i32
        %lt3A_179 = arith.constant 0 : i32
        %lt3A_180 = arith.cmpi slt, %rem3A_176, %lt3A_179 : i32
        %lt3A_181 = arith.constant 0 : i32
        %lt3A_182 = arith.cmpi slt, %select_n3A_175, %lt3A_181 : i32
        %ne3A_183 = arith.xori %lt3A_180, %lt3A_182 : i1
        %and3A_184 = arith.andi %ne3A_183, %ne3A_178 : i1
        %add3A_185 = arith.addi %rem3A_176, %select_n3A_175 : i32
        %select_n3A_186 = arith.select %and3A_184, %add3A_185, %rem3A_176 : i32
        %add3A_187 = arith.addi %mul3A_2, %add3A_168 : i32
        %dma_start3A_188 = arith.constant 0 : i32
        %dma_start3A_189 = tpu.memref_slice %arg6[%select_n3A_186, %dma_start3A_188] : memref<2x2048xf32, #tpu.memory_space<vmem>> -> memref<1x2048xf32, #tpu.memory_space<vmem>>
        %dma_start3A_190 = tpu.memref_squeeze %dma_start3A_189 : memref<1x2048xf32, #tpu.memory_space<vmem>> -> memref<2048xf32, #tpu.memory_space<vmem>>
        %dma_start3A_191 = arith.constant 0 : i32
        %dma_start3A_192 = tpu.memref_slice %arg2[%add3A_187, %dma_start3A_191] : memref<1024x2048xf32, #tpu.memory_space<hbm>> -> memref<1x2048xf32, #tpu.memory_space<hbm>>
        %dma_start3A_193 = tpu.memref_squeeze %dma_start3A_192 : memref<1x2048xf32, #tpu.memory_space<hbm>> -> memref<2048xf32, #tpu.memory_space<hbm>>
        %dma_start3A_194 = arith.constant 0 : i32
        %dma_start3A_195 = tpu.memref_slice %arg6[%select_n3A_186, %dma_start3A_194] : memref<2x2048xf32, #tpu.memory_space<vmem>> -> memref<1x2048xf32, #tpu.memory_space<vmem>>
        %dma_start3A_196 = tpu.memref_squeeze %dma_start3A_195 : memref<1x2048xf32, #tpu.memory_space<vmem>> -> memref<2048xf32, #tpu.memory_space<vmem>>
        %dma_start3A_197 = arith.constant 0 : i32
        %dma_start3A_198 = tpu.memref_slice %arg2[%add3A_187, %dma_start3A_197] : memref<1024x2048xf32, #tpu.memory_space<hbm>> -> memref<1x2048xf32, #tpu.memory_space<hbm>>
        %dma_start3A_199 = tpu.memref_squeeze %dma_start3A_198 : memref<1x2048xf32, #tpu.memory_space<hbm>> -> memref<2048xf32, #tpu.memory_space<hbm>>
        tpu.enqueue_dma source(%dma_start3A_199 : memref<2048xf32, #tpu.memory_space<hbm>>) target(%dma_start3A_196 : memref<2048xf32, #tpu.memory_space<vmem>>) target_semaphore(%arg11 : memref<!tpu.dma_semaphore, #tpu.memory_space<semaphore_mem>>)
        %dma_start3A_200 = arith.constant 0 : i32
        %dma_start3A_201 = tpu.memref_slice %arg7[%select_n3A_186, %dma_start3A_200] : memref<2x2048xf32, #tpu.memory_space<vmem>> -> memref<1x2048xf32, #tpu.memory_space<vmem>>
        %dma_start3A_202 = tpu.memref_squeeze %dma_start3A_201 : memref<1x2048xf32, #tpu.memory_space<vmem>> -> memref<2048xf32, #tpu.memory_space<vmem>>
        %dma_start3A_203 = arith.constant 0 : i32
        %dma_start3A_204 = tpu.memref_slice %arg3[%add3A_187, %dma_start3A_203] : memref<1024x2048xf32, #tpu.memory_space<hbm>> -> memref<1x2048xf32, #tpu.memory_space<hbm>>
        %dma_start3A_205 = tpu.memref_squeeze %dma_start3A_204 : memref<1x2048xf32, #tpu.memory_space<hbm>> -> memref<2048xf32, #tpu.memory_space<hbm>>
        %dma_start3A_206 = arith.constant 0 : i32
        %dma_start3A_207 = tpu.memref_slice %arg7[%select_n3A_186, %dma_start3A_206] : memref<2x2048xf32, #tpu.memory_space<vmem>> -> memref<1x2048xf32, #tpu.memory_space<vmem>>
        %dma_start3A_208 = tpu.memref_squeeze %dma_start3A_207 : memref<1x2048xf32, #tpu.memory_space<vmem>> -> memref<2048xf32, #tpu.memory_space<vmem>>
        %dma_start3A_209 = arith.constant 0 : i32
        %dma_start3A_210 = tpu.memref_slice %arg3[%add3A_187, %dma_start3A_209] : memref<1024x2048xf32, #tpu.memory_space<hbm>> -> memref<1x2048xf32, #tpu.memory_space<hbm>>
        %dma_start3A_211 = tpu.memref_squeeze %dma_start3A_210 : memref<1x2048xf32, #tpu.memory_space<hbm>> -> memref<2048xf32, #tpu.memory_space<hbm>>
        tpu.enqueue_dma source(%dma_start3A_211 : memref<2048xf32, #tpu.memory_space<hbm>>) target(%dma_start3A_208 : memref<2048xf32, #tpu.memory_space<vmem>>) target_semaphore(%arg11 : memref<!tpu.dma_semaphore, #tpu.memory_space<semaphore_mem>>)
        %dma_start3A_212 = arith.constant 0 : i32
        %dma_start3A_213 = tpu.memref_slice %arg8[%select_n3A_186, %dma_start3A_212] : memref<2x2048xf32, #tpu.memory_space<vmem>> -> memref<1x2048xf32, #tpu.memory_space<vmem>>
        %dma_start3A_214 = tpu.memref_squeeze %dma_start3A_213 : memref<1x2048xf32, #tpu.memory_space<vmem>> -> memref<2048xf32, #tpu.memory_space<vmem>>
        %dma_start3A_215 = arith.constant 0 : i32
        %dma_start3A_216 = tpu.memref_slice %arg4[%add3A_187, %dma_start3A_215] : memref<1024x2048xf32, #tpu.memory_space<hbm>> -> memref<1x2048xf32, #tpu.memory_space<hbm>>
        %dma_start3A_217 = tpu.memref_squeeze %dma_start3A_216 : memref<1x2048xf32, #tpu.memory_space<hbm>> -> memref<2048xf32, #tpu.memory_space<hbm>>
        %dma_start3A_218 = arith.constant 0 : i32
        %dma_start3A_219 = tpu.memref_slice %arg8[%select_n3A_186, %dma_start3A_218] : memref<2x2048xf32, #tpu.memory_space<vmem>> -> memref<1x2048xf32, #tpu.memory_space<vmem>>
        %dma_start3A_220 = tpu.memref_squeeze %dma_start3A_219 : memref<1x2048xf32, #tpu.memory_space<vmem>> -> memref<2048xf32, #tpu.memory_space<vmem>>
        %dma_start3A_221 = arith.constant 0 : i32
        %dma_start3A_222 = tpu.memref_slice %arg4[%add3A_187, %dma_start3A_221] : memref<1024x2048xf32, #tpu.memory_space<hbm>> -> memref<1x2048xf32, #tpu.memory_space<hbm>>
        %dma_start3A_223 = tpu.memref_squeeze %dma_start3A_222 : memref<1x2048xf32, #tpu.memory_space<hbm>> -> memref<2048xf32, #tpu.memory_space<hbm>>
        tpu.enqueue_dma source(%dma_start3A_223 : memref<2048xf32, #tpu.memory_space<hbm>>) target(%dma_start3A_220 : memref<2048xf32, #tpu.memory_space<vmem>>) target_semaphore(%arg11 : memref<!tpu.dma_semaphore, #tpu.memory_space<semaphore_mem>>)
      } else {
      }
      %add3A_92 = arith.addi %mul3A_2, %scan3A_77 : i32
      %dma_wait3A_93 = arith.constant 0 : i32
      %dma_wait3A_94 = tpu.memref_slice %arg6[%select_n3A_86, %dma_wait3A_93] : memref<2x2048xf32, #tpu.memory_space<vmem>> -> memref<1x2048xf32, #tpu.memory_space<vmem>>
      %dma_wait3A_95 = tpu.memref_squeeze %dma_wait3A_94 : memref<1x2048xf32, #tpu.memory_space<vmem>> -> memref<2048xf32, #tpu.memory_space<vmem>>
      %dma_wait3A_96 = arith.constant 0 : i32
      %dma_wait3A_97 = tpu.memref_slice %arg2[%add3A_92, %dma_wait3A_96] : memref<1024x2048xf32, #tpu.memory_space<hbm>> -> memref<1x2048xf32, #tpu.memory_space<hbm>>
      %dma_wait3A_98 = tpu.memref_squeeze %dma_wait3A_97 : memref<1x2048xf32, #tpu.memory_space<hbm>> -> memref<2048xf32, #tpu.memory_space<hbm>>
      %dma_wait3A_99 = arith.constant 0 : i32
      %dma_wait3A_100 = tpu.memref_slice %arg6[%select_n3A_86, %dma_wait3A_99] : memref<2x2048xf32, #tpu.memory_space<vmem>> -> memref<1x2048xf32, #tpu.memory_space<vmem>>
      %dma_wait3A_101 = tpu.memref_squeeze %dma_wait3A_100 : memref<1x2048xf32, #tpu.memory_space<vmem>> -> memref<2048xf32, #tpu.memory_space<vmem>>
      %dma_wait3A_102 = arith.constant 0 : i32
      %dma_wait3A_103 = tpu.memref_slice %arg2[%add3A_92, %dma_wait3A_102] : memref<1024x2048xf32, #tpu.memory_space<hbm>> -> memref<1x2048xf32, #tpu.memory_space<hbm>>
      %dma_wait3A_104 = tpu.memref_squeeze %dma_wait3A_103 : memref<1x2048xf32, #tpu.memory_space<hbm>> -> memref<2048xf32, #tpu.memory_space<hbm>>
      tpu.wait_dma2 semaphore(%arg11 : memref<!tpu.dma_semaphore, #tpu.memory_space<semaphore_mem>>) src(%dma_wait3A_104 : memref<2048xf32, #tpu.memory_space<hbm>>) dst(%dma_wait3A_101 : memref<2048xf32, #tpu.memory_space<vmem>>)
      %dma_wait3A_105 = arith.constant 0 : i32
      %dma_wait3A_106 = tpu.memref_slice %arg7[%select_n3A_86, %dma_wait3A_105] : memref<2x2048xf32, #tpu.memory_space<vmem>> -> memref<1x2048xf32, #tpu.memory_space<vmem>>
      %dma_wait3A_107 = tpu.memref_squeeze %dma_wait3A_106 : memref<1x2048xf32, #tpu.memory_space<vmem>> -> memref<2048xf32, #tpu.memory_space<vmem>>
      %dma_wait3A_108 = arith.constant 0 : i32
      %dma_wait3A_109 = tpu.memref_slice %arg3[%add3A_92, %dma_wait3A_108] : memref<1024x2048xf32, #tpu.memory_space<hbm>> -> memref<1x2048xf32, #tpu.memory_space<hbm>>
      %dma_wait3A_110 = tpu.memref_squeeze %dma_wait3A_109 : memref<1x2048xf32, #tpu.memory_space<hbm>> -> memref<2048xf32, #tpu.memory_space<hbm>>
      %dma_wait3A_111 = arith.constant 0 : i32
      %dma_wait3A_112 = tpu.memref_slice %arg7[%select_n3A_86, %dma_wait3A_111] : memref<2x2048xf32, #tpu.memory_space<vmem>> -> memref<1x2048xf32, #tpu.memory_space<vmem>>
      %dma_wait3A_113 = tpu.memref_squeeze %dma_wait3A_112 : memref<1x2048xf32, #tpu.memory_space<vmem>> -> memref<2048xf32, #tpu.memory_space<vmem>>
      %dma_wait3A_114 = arith.constant 0 : i32
      %dma_wait3A_115 = tpu.memref_slice %arg3[%add3A_92, %dma_wait3A_114] : memref<1024x2048xf32, #tpu.memory_space<hbm>> -> memref<1x2048xf32, #tpu.memory_space<hbm>>
      %dma_wait3A_116 = tpu.memref_squeeze %dma_wait3A_115 : memref<1x2048xf32, #tpu.memory_space<hbm>> -> memref<2048xf32, #tpu.memory_space<hbm>>
      tpu.wait_dma2 semaphore(%arg11 : memref<!tpu.dma_semaphore, #tpu.memory_space<semaphore_mem>>) src(%dma_wait3A_116 : memref<2048xf32, #tpu.memory_space<hbm>>) dst(%dma_wait3A_113 : memref<2048xf32, #tpu.memory_space<vmem>>)
      %dma_wait3A_117 = arith.constant 0 : i32
      %dma_wait3A_118 = tpu.memref_slice %arg8[%select_n3A_86, %dma_wait3A_117] : memref<2x2048xf32, #tpu.memory_space<vmem>> -> memref<1x2048xf32, #tpu.memory_space<vmem>>
      %dma_wait3A_119 = tpu.memref_squeeze %dma_wait3A_118 : memref<1x2048xf32, #tpu.memory_space<vmem>> -> memref<2048xf32, #tpu.memory_space<vmem>>
      %dma_wait3A_120 = arith.constant 0 : i32
      %dma_wait3A_121 = tpu.memref_slice %arg4[%add3A_92, %dma_wait3A_120] : memref<1024x2048xf32, #tpu.memory_space<hbm>> -> memref<1x2048xf32, #tpu.memory_space<hbm>>
      %dma_wait3A_122 = tpu.memref_squeeze %dma_wait3A_121 : memref<1x2048xf32, #tpu.memory_space<hbm>> -> memref<2048xf32, #tpu.memory_space<hbm>>
      %dma_wait3A_123 = arith.constant 0 : i32
      %dma_wait3A_124 = tpu.memref_slice %arg8[%select_n3A_86, %dma_wait3A_123] : memref<2x2048xf32, #tpu.memory_space<vmem>> -> memref<1x2048xf32, #tpu.memory_space<vmem>>
      %dma_wait3A_125 = tpu.memref_squeeze %dma_wait3A_124 : memref<1x2048xf32, #tpu.memory_space<vmem>> -> memref<2048xf32, #tpu.memory_space<vmem>>
      %dma_wait3A_126 = arith.constant 0 : i32
      %dma_wait3A_127 = tpu.memref_slice %arg4[%add3A_92, %dma_wait3A_126] : memref<1024x2048xf32, #tpu.memory_space<hbm>> -> memref<1x2048xf32, #tpu.memory_space<hbm>>
      %dma_wait3A_128 = tpu.memref_squeeze %dma_wait3A_127 : memref<1x2048xf32, #tpu.memory_space<hbm>> -> memref<2048xf32, #tpu.memory_space<hbm>>
      tpu.wait_dma2 semaphore(%arg11 : memref<!tpu.dma_semaphore, #tpu.memory_space<semaphore_mem>>) src(%dma_wait3A_128 : memref<2048xf32, #tpu.memory_space<hbm>>) dst(%dma_wait3A_125 : memref<2048xf32, #tpu.memory_space<vmem>>)
      %broadcast_in_dim3A = arith.constant 0xFF800000 : f32
      %broadcast_in_dim3A_129 = vector.broadcast %broadcast_in_dim3A : f32 to vector<16xf32>
      %scan3A_130 = arith.constant 0 : i32
      %scan3A_131 = arith.constant 32 : i32
      %scan3A_132 = arith.addi %scan3A_130, %scan3A_131 : i32
      %scan3A_133 = arith.constant 1 : i32
      %scan3A_134 = scf.for %scan3A_167 = %scan3A_130 to %scan3A_132 step %scan3A_133 iter_args(%scan3A_168 = %broadcast_in_dim3A_129) -> (vector<16xf32>)  : i32 {
        %mul3A_169 = arith.constant 4 : i32
        %mul3A_170 = arith.muli %mul3A_169, %scan3A_167 : i32
        %add3A_171 = arith.constant 0 : i32
        %add3A_172 = arith.addi %mul3A_170, %add3A_171 : i32
        %mul3A_173 = arith.constant 16 : i32
        %mul3A_174 = arith.muli %add3A_172, %mul3A_173 : i32
        %get3A = arith.index_cast %select_n3A_86 : i32 to index
        %get3A_175 = arith.index_cast %mul3A_174 : i32 to index
        %get3A_176 = tpu.vector_load %arg6[%get3A, %get3A_175] {strides = array<i32>} : memref<2x2048xf32, #tpu.memory_space<vmem>>, vector<16xf32>,
        %get3A_177 = arith.index_cast %select_n3A_86 : i32 to index
        %get3A_178 = arith.index_cast %mul3A_174 : i32 to index
        %get3A_179 = tpu.vector_load %arg7[%get3A_177, %get3A_178] {strides = array<i32>} : memref<2x2048xf32, #tpu.memory_space<vmem>>, vector<16xf32>,
        %add3A_180 = arith.addf %get3A_176, %get3A_179 : vector<16xf32>
        %swap3A = arith.index_cast %mul3A_174 : i32 to index
        %swap3A_181 = tpu.vector_load %arg10[%swap3A] {strides = array<i32>} : memref<2048xf32, #tpu.memory_space<vmem>>, vector<16xf32>,
        tpu.vector_store %arg10[%swap3A], %add3A_180 {strides = array<i32>} : memref<2048xf32, #tpu.memory_space<vmem>>, vector<16xf32>,
        %mul3A_182 = arith.constant 4 : i32
        %mul3A_183 = arith.muli %mul3A_182, %scan3A_167 : i32
        %add3A_184 = arith.constant 1 : i32
        %add3A_185 = arith.addi %mul3A_183, %add3A_184 : i32
        %mul3A_186 = arith.constant 16 : i32
        %mul3A_187 = arith.muli %add3A_185, %mul3A_186 : i32
        %get3A_188 = arith.index_cast %select_n3A_86 : i32 to index
        %get3A_189 = arith.index_cast %mul3A_187 : i32 to index
        %get3A_190 = tpu.vector_load %arg6[%get3A_188, %get3A_189] {strides = array<i32>} : memref<2x2048xf32, #tpu.memory_space<vmem>>, vector<16xf32>,
        %get3A_191 = arith.index_cast %select_n3A_86 : i32 to index
        %get3A_192 = arith.index_cast %mul3A_187 : i32 to index
        %get3A_193 = tpu.vector_load %arg7[%get3A_191, %get3A_192] {strides = array<i32>} : memref<2x2048xf32, #tpu.memory_space<vmem>>, vector<16xf32>,
        %add3A_194 = arith.addf %get3A_190, %get3A_193 : vector<16xf32>
        %swap3A_195 = arith.index_cast %mul3A_187 : i32 to index
        %swap3A_196 = tpu.vector_load %arg10[%swap3A_195] {strides = array<i32>} : memref<2048xf32, #tpu.memory_space<vmem>>, vector<16xf32>,
        tpu.vector_store %arg10[%swap3A_195], %add3A_194 {strides = array<i32>} : memref<2048xf32, #tpu.memory_space<vmem>>, vector<16xf32>,
        %mul3A_197 = arith.constant 4 : i32
        %mul3A_198 = arith.muli %mul3A_197, %scan3A_167 : i32
        %add3A_199 = arith.constant 2 : i32
        %add3A_200 = arith.addi %mul3A_198, %add3A_199 : i32
        %mul3A_201 = arith.constant 16 : i32
        %mul3A_202 = arith.muli %add3A_200, %mul3A_201 : i32
        %get3A_203 = arith.index_cast %select_n3A_86 : i32 to index
        %get3A_204 = arith.index_cast %mul3A_202 : i32 to index
        %get3A_205 = tpu.vector_load %arg6[%get3A_203, %get3A_204] {strides = array<i32>} : memref<2x2048xf32, #tpu.memory_space<vmem>>, vector<16xf32>,
        %get3A_206 = arith.index_cast %select_n3A_86 : i32 to index
        %get3A_207 = arith.index_cast %mul3A_202 : i32 to index
        %get3A_208 = tpu.vector_load %arg7[%get3A_206, %get3A_207] {strides = array<i32>} : memref<2x2048xf32, #tpu.memory_space<vmem>>, vector<16xf32>,
        %add3A_209 = arith.addf %get3A_205, %get3A_208 : vector<16xf32>
        %swap3A_210 = arith.index_cast %mul3A_202 : i32 to index
        %swap3A_211 = tpu.vector_load %arg10[%swap3A_210] {strides = array<i32>} : memref<2048xf32, #tpu.memory_space<vmem>>, vector<16xf32>,
        tpu.vector_store %arg10[%swap3A_210], %add3A_209 {strides = array<i32>} : memref<2048xf32, #tpu.memory_space<vmem>>, vector<16xf32>,
        %mul3A_212 = arith.constant 4 : i32
        %mul3A_213 = arith.muli %mul3A_212, %scan3A_167 : i32
        %add3A_214 = arith.constant 3 : i32
        %add3A_215 = arith.addi %mul3A_213, %add3A_214 : i32
        %mul3A_216 = arith.constant 16 : i32
        %mul3A_217 = arith.muli %add3A_215, %mul3A_216 : i32
        %get3A_218 = arith.index_cast %select_n3A_86 : i32 to index
        %get3A_219 = arith.index_cast %mul3A_217 : i32 to index
        %get3A_220 = tpu.vector_load %arg6[%get3A_218, %get3A_219] {strides = array<i32>} : memref<2x2048xf32, #tpu.memory_space<vmem>>, vector<16xf32>,
        %get3A_221 = arith.index_cast %select_n3A_86 : i32 to index
        %get3A_222 = arith.index_cast %mul3A_217 : i32 to index
        %get3A_223 = tpu.vector_load %arg7[%get3A_221, %get3A_222] {strides = array<i32>} : memref<2x2048xf32, #tpu.memory_space<vmem>>, vector<16xf32>,
        %add3A_224 = arith.addf %get3A_220, %get3A_223 : vector<16xf32>
        %swap3A_225 = arith.index_cast %mul3A_217 : i32 to index
        %swap3A_226 = tpu.vector_load %arg10[%swap3A_225] {strides = array<i32>} : memref<2048xf32, #tpu.memory_space<vmem>>, vector<16xf32>,
        tpu.vector_store %arg10[%swap3A_225], %add3A_224 {strides = array<i32>} : memref<2048xf32, #tpu.memory_space<vmem>>, vector<16xf32>,
        %masked_sort3A = arith.constant dense<true> : vector<16xi1>
        %masked_sort3A_227, %masked_sort3A_228, %masked_sort3A_229 = tpu.sort %add3A_180, %add3A_180 masked %masked_sort3A : (vector<16xf32>, vector<16xf32>, vector<16xi1>) -> (vector<16xi1>, vector<16xf32>, vector<16xf32>)
        %masked_sort3A_230 = arith.constant dense<true> : vector<16xi1>
        %masked_sort3A_231, %masked_sort3A_232, %masked_sort3A_233 = tpu.sort %add3A_194, %add3A_194 masked %masked_sort3A_230 {descending = true} : (vector<16xf32>, vector<16xf32>, vector<16xi1>) -> (vector<16xi1>, vector<16xf32>, vector<16xf32>)
        %max3A = arith.maximumf %masked_sort3A_228, %masked_sort3A_232 : vector<16xf32>
        %masked_sort3A_234 = arith.constant dense<true> : vector<16xi1>
        %masked_sort3A_235, %masked_sort3A_236, %masked_sort3A_237 = tpu.sort %add3A_209, %add3A_209 masked %masked_sort3A_234 : (vector<16xf32>, vector<16xf32>, vector<16xi1>) -> (vector<16xi1>, vector<16xf32>, vector<16xf32>)
        %masked_sort3A_238 = arith.constant dense<true> : vector<16xi1>
        %masked_sort3A_239, %masked_sort3A_240, %masked_sort3A_241 = tpu.sort %add3A_224, %add3A_224 masked %masked_sort3A_238 {descending = true} : (vector<16xf32>, vector<16xf32>, vector<16xi1>) -> (vector<16xi1>, vector<16xf32>, vector<16xf32>)
        %max3A_242 = arith.maximumf %masked_sort3A_236, %masked_sort3A_240 : vector<16xf32>
        %masked_sort3A_243 = arith.constant dense<true> : vector<16xi1>
        %masked_sort3A_244, %masked_sort3A_245, %masked_sort3A_246 = tpu.sort %max3A, %max3A masked %masked_sort3A_243 : (vector<16xf32>, vector<16xf32>, vector<16xi1>) -> (vector<16xi1>, vector<16xf32>, vector<16xf32>)
        %masked_sort3A_247 = arith.constant dense<true> : vector<16xi1>
        %masked_sort3A_248, %masked_sort3A_249, %masked_sort3A_250 = tpu.sort %max3A_242, %max3A_242 masked %masked_sort3A_247 {descending = true} : (vector<16xf32>, vector<16xf32>, vector<16xi1>) -> (vector<16xi1>, vector<16xf32>, vector<16xf32>)
        %max3A_251 = arith.maximumf %masked_sort3A_245, %masked_sort3A_249 : vector<16xf32>
        %masked_sort3A_252 = arith.constant dense<true> : vector<16xi1>
        %masked_sort3A_253, %masked_sort3A_254, %masked_sort3A_255 = tpu.sort %max3A_251, %max3A_251 masked %masked_sort3A_252 {descending = true} : (vector<16xf32>, vector<16xf32>, vector<16xi1>) -> (vector<16xi1>, vector<16xf32>, vector<16xf32>)
        %max3A_256 = arith.maximumf %scan3A_168, %masked_sort3A_254 : vector<16xf32>
        %masked_sort3A_257 = arith.constant dense<true> : vector<16xi1>
        %masked_sort3A_258, %masked_sort3A_259, %masked_sort3A_260 = tpu.sort %max3A_256, %max3A_256 masked %masked_sort3A_257 : (vector<16xf32>, vector<16xf32>, vector<16xi1>) -> (vector<16xi1>, vector<16xf32>, vector<16xf32>)
        scf.yield %masked_sort3A_259 : vector<16xf32>
      }
      %scan3A_135 = arith.constant 32 : i32
      %reduce_min3A = arith.constant true
      %reduce_min3A_136 = vector.broadcast %reduce_min3A : i1 to vector<16xi1>
      %reduce_min3A_137 = tpu.scan <min>, %scan3A_134 masked %reduce_min3A_136 : vector<16xf32>, vector<16xi1> -> vector<16xf32>
      %reduce_min3A_138 = vector.extract %reduce_min3A_137[15] : f32 from vector<16xf32>
      %broadcast_in_dim3A_139 = vector.broadcast %reduce_min3A_138 : f32 to vector<16xf32>
      %gt3A = arith.cmpf ogt, %scan3A_134, %broadcast_in_dim3A_139 : vector<16xf32>
      %all_reduce_population_count3A = tpu.all_reduce %gt3A {dim = 0 : i64, kind = #tpu.reduction_kind<sum>} : vector<16xi1> -> vector<16xi32>
      %broadcast_in_dim3A_140 = arith.constant 16 : i32
      %broadcast_in_dim3A_141 = vector.broadcast %broadcast_in_dim3A_140 : i32 to vector<16xi32>
      %sub3A = arith.subi %broadcast_in_dim3A_141, %all_reduce_population_count3A : vector<16xi32>
      %ge3A = arith.constant 2 : i32
      %ge3A_142 = arith.cmpi sge, %scan3A_77, %ge3A : i32
      %convert_element_type3A_143 = arith.extui %ge3A_142 : i1 to i32
      %cond3A_144 = arith.constant 0 : i32
      %cond3A_145 = arith.cmpi ne, %convert_element_type3A_143, %cond3A_144 : i32
      scf.if %cond3A_145 {
        %sub3A_167 = arith.constant 2 : i32
        %sub3A_168 = arith.subi %scan3A_77, %sub3A_167 : i32
        %add3A_169 = arith.addi %mul3A_2, %sub3A_168 : i32
        %dma_wait3A_170 = arith.constant 0 : i32
        %dma_wait3A_171 = tpu.memref_slice %arg9[%select_n3A_86, %dma_wait3A_170] : memref<2x2048xf32, #tpu.memory_space<vmem>> -> memref<1x2048xf32, #tpu.memory_space<vmem>>
        %dma_wait3A_172 = tpu.memref_squeeze %dma_wait3A_171 : memref<1x2048xf32, #tpu.memory_space<vmem>> -> memref<2048xf32, #tpu.memory_space<vmem>>
        %dma_wait3A_173 = arith.constant 0 : i32
        %dma_wait3A_174 = tpu.memref_slice %arg5[%add3A_169, %dma_wait3A_173] : memref<256x2048xf32, #tpu.memory_space<hbm>> -> memref<1x2048xf32, #tpu.memory_space<hbm>>
        %dma_wait3A_175 = tpu.memref_squeeze %dma_wait3A_174 : memref<1x2048xf32, #tpu.memory_space<hbm>> -> memref<2048xf32, #tpu.memory_space<hbm>>
        %dma_wait3A_176 = arith.constant 0 : i32
        %dma_wait3A_177 = tpu.memref_slice %arg5[%add3A_169, %dma_wait3A_176] : memref<256x2048xf32, #tpu.memory_space<hbm>> -> memref<1x2048xf32, #tpu.memory_space<hbm>>
        %dma_wait3A_178 = tpu.memref_squeeze %dma_wait3A_177 : memref<1x2048xf32, #tpu.memory_space<hbm>> -> memref<2048xf32, #tpu.memory_space<hbm>>
        %dma_wait3A_179 = arith.constant 0 : i32
        %dma_wait3A_180 = tpu.memref_slice %arg9[%select_n3A_86, %dma_wait3A_179] : memref<2x2048xf32, #tpu.memory_space<vmem>> -> memref<1x2048xf32, #tpu.memory_space<vmem>>
        %dma_wait3A_181 = tpu.memref_squeeze %dma_wait3A_180 : memref<1x2048xf32, #tpu.memory_space<vmem>> -> memref<2048xf32, #tpu.memory_space<vmem>>
        tpu.wait_dma2 semaphore(%arg12 : memref<!tpu.dma_semaphore, #tpu.memory_space<semaphore_mem>>) src(%dma_wait3A_181 : memref<2048xf32, #tpu.memory_space<vmem>>) dst(%dma_wait3A_178 : memref<2048xf32, #tpu.memory_space<hbm>>)
      } else {
      }
      %broadcast_in_dim3A_146 = arith.constant 0 : i32
      %broadcast_in_dim3A_147 = vector.broadcast %broadcast_in_dim3A_146 : i32 to vector<16xi32>
      %scan3A_148 = arith.constant 0 : i32
      %scan3A_149 = arith.constant 32 : i32
      %scan3A_150 = arith.addi %scan3A_148, %scan3A_149 : i32
      %scan3A_151 = arith.constant 1 : i32
      %scan3A_152 = scf.for %scan3A_167 = %scan3A_148 to %scan3A_150 step %scan3A_151 iter_args(%scan3A_168 = %broadcast_in_dim3A_147) -> (vector<16xi32>)  : i32 {
        %mul3A_169 = arith.constant 4 : i32
        %mul3A_170 = arith.muli %mul3A_169, %scan3A_167 : i32
        %add3A_171 = arith.constant 0 : i32
        %add3A_172 = arith.addi %mul3A_170, %add3A_171 : i32
        %mul3A_173 = arith.constant 16 : i32
        %mul3A_174 = arith.muli %add3A_172, %mul3A_173 : i32
        %get3A = arith.index_cast %mul3A_174 : i32 to index
        %get3A_175 = tpu.vector_load %arg10[%get3A] {strides = array<i32>} : memref<2048xf32, #tpu.memory_space<vmem>>, vector<16xf32>,
        %eq3A_176 = arith.cmpf oeq, %get3A_175, %broadcast_in_dim3A_139 : vector<16xf32>
        %jit3A_177 = arith.constant 1 : i32
        %jit3A_178 = arith.constant 0 : i32
        %broadcast_in_dim3A_179 = vector.broadcast %jit3A_177 : i32 to vector<16xi32>
        %broadcast_in_dim3A_180 = vector.broadcast %jit3A_178 : i32 to vector<16xi32>
        %select_n3A_181 = arith.select %eq3A_176, %broadcast_in_dim3A_179, %broadcast_in_dim3A_180 : vector<16xi1>, vector<16xi32>
        %broadcast_in_dim3A_182 = arith.constant true
        %broadcast_in_dim3A_183 = vector.broadcast %broadcast_in_dim3A_182 : i1 to vector<16xi1>
        %masked_cumsum3A = tpu.scan <sum>, %select_n3A_181 masked %broadcast_in_dim3A_183 : vector<16xi32>, vector<16xi1> -> vector<16xi32>
        %gt3A_184 = arith.cmpf ogt, %get3A_175, %broadcast_in_dim3A_139 : vector<16xf32>
        %add3A_185 = arith.addi %masked_cumsum3A, %scan3A_168 : vector<16xi32>
        %le3A = arith.cmpi sle, %add3A_185, %sub3A : vector<16xi32>
        %and3A_186 = arith.andi %eq3A_176, %le3A : vector<16xi1>
        %or3A = arith.ori %gt3A_184, %and3A_186 : vector<16xi1>
        %get3A_187 = arith.index_cast %select_n3A_86 : i32 to index
        %get3A_188 = arith.index_cast %mul3A_174 : i32 to index
        %get3A_189 = tpu.vector_load %arg8[%get3A_187, %get3A_188] {strides = array<i32>} : memref<2x2048xf32, #tpu.memory_space<vmem>>, vector<16xf32>,
        %sign3A = tpu.bitcast %get3A_189 : vector<16xf32> -> vector<16xi32>
        %sign3A_190 = arith.constant -2147483648 : i32
        %sign3A_191 = vector.broadcast %sign3A_190 : i32 to vector<16xi32>
        %sign3A_192 = arith.andi %sign3A, %sign3A_191 : vector<16xi32>
        %sign3A_193 = arith.constant 1065353216 : i32
        %sign3A_194 = vector.broadcast %sign3A_193 : i32 to vector<16xi32>
        %sign3A_195 = arith.ori %sign3A_194, %sign3A_192 : vector<16xi32>
        %sign3A_196 = tpu.bitcast %sign3A_195 : vector<16xi32> -> vector<16xf32>
        %sign3A_197 = math.absf %get3A_189 : vector<16xf32>
        %sign3A_198 = arith.constant 0.000000e+00 : f32
        %sign3A_199 = vector.broadcast %sign3A_198 : f32 to vector<16xf32>
        %sign3A_200 = arith.cmpf ogt, %sign3A_197, %sign3A_199 : vector<16xf32>
        %sign3A_201 = arith.select %sign3A_200, %sign3A_196, %get3A_189 : vector<16xi1>, vector<16xf32>
        %jit3A_202 = arith.constant 0.000000e+00 : f32
        %broadcast_in_dim3A_203 = vector.broadcast %jit3A_202 : f32 to vector<16xf32>
        %select_n3A_204 = arith.select %or3A, %sign3A_201, %broadcast_in_dim3A_203 : vector<16xi1>, vector<16xf32>
        %swap3A = arith.index_cast %select_n3A_86 : i32 to index
        %swap3A_205 = arith.index_cast %mul3A_174 : i32 to index
        %swap3A_206 = tpu.vector_load %arg9[%swap3A, %swap3A_205] {strides = array<i32>} : memref<2x2048xf32, #tpu.memory_space<vmem>>, vector<16xf32>,
        tpu.vector_store %arg9[%swap3A, %swap3A_205], %select_n3A_204 {strides = array<i32>} : memref<2x2048xf32, #tpu.memory_space<vmem>>, vector<16xf32>,
        %all_reduce_population_count3A_207 = tpu.all_reduce %eq3A_176 {dim = 0 : i64, kind = #tpu.reduction_kind<sum>} : vector<16xi1> -> vector<16xi32>
        %add3A_208 = arith.addi %scan3A_168, %all_reduce_population_count3A_207 : vector<16xi32>
        %mul3A_209 = arith.constant 4 : i32
        %mul3A_210 = arith.muli %mul3A_209, %scan3A_167 : i32
        %add3A_211 = arith.constant 1 : i32
        %add3A_212 = arith.addi %mul3A_210, %add3A_211 : i32
        %mul3A_213 = arith.constant 16 : i32
        %mul3A_214 = arith.muli %add3A_212, %mul3A_213 : i32
        %get3A_215 = arith.index_cast %mul3A_214 : i32 to index
        %get3A_216 = tpu.vector_load %arg10[%get3A_215] {strides = array<i32>} : memref<2048xf32, #tpu.memory_space<vmem>>, vector<16xf32>,
        %eq3A_217 = arith.cmpf oeq, %get3A_216, %broadcast_in_dim3A_139 : vector<16xf32>
        %jit3A_218 = arith.constant 1 : i32
        %jit3A_219 = arith.constant 0 : i32
        %broadcast_in_dim3A_220 = vector.broadcast %jit3A_218 : i32 to vector<16xi32>
        %broadcast_in_dim3A_221 = vector.broadcast %jit3A_219 : i32 to vector<16xi32>
        %select_n3A_222 = arith.select %eq3A_217, %broadcast_in_dim3A_220, %broadcast_in_dim3A_221 : vector<16xi1>, vector<16xi32>
        %broadcast_in_dim3A_223 = arith.constant true
        %broadcast_in_dim3A_224 = vector.broadcast %broadcast_in_dim3A_223 : i1 to vector<16xi1>
        %masked_cumsum3A_225 = tpu.scan <sum>, %select_n3A_222 masked %broadcast_in_dim3A_224 : vector<16xi32>, vector<16xi1> -> vector<16xi32>
        %gt3A_226 = arith.cmpf ogt, %get3A_216, %broadcast_in_dim3A_139 : vector<16xf32>
        %add3A_227 = arith.addi %masked_cumsum3A_225, %add3A_208 : vector<16xi32>
        %le3A_228 = arith.cmpi sle, %add3A_227, %sub3A : vector<16xi32>
        %and3A_229 = arith.andi %eq3A_217, %le3A_228 : vector<16xi1>
        %or3A_230 = arith.ori %gt3A_226, %and3A_229 : vector<16xi1>
        %get3A_231 = arith.index_cast %select_n3A_86 : i32 to index
        %get3A_232 = arith.index_cast %mul3A_214 : i32 to index
        %get3A_233 = tpu.vector_load %arg8[%get3A_231, %get3A_232] {strides = array<i32>} : memref<2x2048xf32, #tpu.memory_space<vmem>>, vector<16xf32>,
        %sign3A_234 = tpu.bitcast %get3A_233 : vector<16xf32> -> vector<16xi32>
        %sign3A_235 = arith.constant -2147483648 : i32
        %sign3A_236 = vector.broadcast %sign3A_235 : i32 to vector<16xi32>
        %sign3A_237 = arith.andi %sign3A_234, %sign3A_236 : vector<16xi32>
        %sign3A_238 = arith.constant 1065353216 : i32
        %sign3A_239 = vector.broadcast %sign3A_238 : i32 to vector<16xi32>
        %sign3A_240 = arith.ori %sign3A_239, %sign3A_237 : vector<16xi32>
        %sign3A_241 = tpu.bitcast %sign3A_240 : vector<16xi32> -> vector<16xf32>
        %sign3A_242 = math.absf %get3A_233 : vector<16xf32>
        %sign3A_243 = arith.constant 0.000000e+00 : f32
        %sign3A_244 = vector.broadcast %sign3A_243 : f32 to vector<16xf32>
        %sign3A_245 = arith.cmpf ogt, %sign3A_242, %sign3A_244 : vector<16xf32>
        %sign3A_246 = arith.select %sign3A_245, %sign3A_241, %get3A_233 : vector<16xi1>, vector<16xf32>
        %jit3A_247 = arith.constant 0.000000e+00 : f32
        %broadcast_in_dim3A_248 = vector.broadcast %jit3A_247 : f32 to vector<16xf32>
        %select_n3A_249 = arith.select %or3A_230, %sign3A_246, %broadcast_in_dim3A_248 : vector<16xi1>, vector<16xf32>
        %swap3A_250 = arith.index_cast %select_n3A_86 : i32 to index
        %swap3A_251 = arith.index_cast %mul3A_214 : i32 to index
        %swap3A_252 = tpu.vector_load %arg9[%swap3A_250, %swap3A_251] {strides = array<i32>} : memref<2x2048xf32, #tpu.memory_space<vmem>>, vector<16xf32>,
        tpu.vector_store %arg9[%swap3A_250, %swap3A_251], %select_n3A_249 {strides = array<i32>} : memref<2x2048xf32, #tpu.memory_space<vmem>>, vector<16xf32>,
        %all_reduce_population_count3A_253 = tpu.all_reduce %eq3A_217 {dim = 0 : i64, kind = #tpu.reduction_kind<sum>} : vector<16xi1> -> vector<16xi32>
        %add3A_254 = arith.addi %add3A_208, %all_reduce_population_count3A_253 : vector<16xi32>
        %mul3A_255 = arith.constant 4 : i32
        %mul3A_256 = arith.muli %mul3A_255, %scan3A_167 : i32
        %add3A_257 = arith.constant 2 : i32
        %add3A_258 = arith.addi %mul3A_256, %add3A_257 : i32
        %mul3A_259 = arith.constant 16 : i32
        %mul3A_260 = arith.muli %add3A_258, %mul3A_259 : i32
        %get3A_261 = arith.index_cast %mul3A_260 : i32 to index
        %get3A_262 = tpu.vector_load %arg10[%get3A_261] {strides = array<i32>} : memref<2048xf32, #tpu.memory_space<vmem>>, vector<16xf32>,
        %eq3A_263 = arith.cmpf oeq, %get3A_262, %broadcast_in_dim3A_139 : vector<16xf32>
        %jit3A_264 = arith.constant 1 : i32
        %jit3A_265 = arith.constant 0 : i32
        %broadcast_in_dim3A_266 = vector.broadcast %jit3A_264 : i32 to vector<16xi32>
        %broadcast_in_dim3A_267 = vector.broadcast %jit3A_265 : i32 to vector<16xi32>
        %select_n3A_268 = arith.select %eq3A_263, %broadcast_in_dim3A_266, %broadcast_in_dim3A_267 : vector<16xi1>, vector<16xi32>
        %broadcast_in_dim3A_269 = arith.constant true
        %broadcast_in_dim3A_270 = vector.broadcast %broadcast_in_dim3A_269 : i1 to vector<16xi1>
        %masked_cumsum3A_271 = tpu.scan <sum>, %select_n3A_268 masked %broadcast_in_dim3A_270 : vector<16xi32>, vector<16xi1> -> vector<16xi32>
        %gt3A_272 = arith.cmpf ogt, %get3A_262, %broadcast_in_dim3A_139 : vector<16xf32>
        %add3A_273 = arith.addi %masked_cumsum3A_271, %add3A_254 : vector<16xi32>
        %le3A_274 = arith.cmpi sle, %add3A_273, %sub3A : vector<16xi32>
        %and3A_275 = arith.andi %eq3A_263, %le3A_274 : vector<16xi1>
        %or3A_276 = arith.ori %gt3A_272, %and3A_275 : vector<16xi1>
        %get3A_277 = arith.index_cast %select_n3A_86 : i32 to index
        %get3A_278 = arith.index_cast %mul3A_260 : i32 to index
        %get3A_279 = tpu.vector_load %arg8[%get3A_277, %get3A_278] {strides = array<i32>} : memref<2x2048xf32, #tpu.memory_space<vmem>>, vector<16xf32>,
        %sign3A_280 = tpu.bitcast %get3A_279 : vector<16xf32> -> vector<16xi32>
        %sign3A_281 = arith.constant -2147483648 : i32
        %sign3A_282 = vector.broadcast %sign3A_281 : i32 to vector<16xi32>
        %sign3A_283 = arith.andi %sign3A_280, %sign3A_282 : vector<16xi32>
        %sign3A_284 = arith.constant 1065353216 : i32
        %sign3A_285 = vector.broadcast %sign3A_284 : i32 to vector<16xi32>
        %sign3A_286 = arith.ori %sign3A_285, %sign3A_283 : vector<16xi32>
        %sign3A_287 = tpu.bitcast %sign3A_286 : vector<16xi32> -> vector<16xf32>
        %sign3A_288 = math.absf %get3A_279 : vector<16xf32>
        %sign3A_289 = arith.constant 0.000000e+00 : f32
        %sign3A_290 = vector.broadcast %sign3A_289 : f32 to vector<16xf32>
        %sign3A_291 = arith.cmpf ogt, %sign3A_288, %sign3A_290 : vector<16xf32>
        %sign3A_292 = arith.select %sign3A_291, %sign3A_287, %get3A_279 : vector<16xi1>, vector<16xf32>
        %jit3A_293 = arith.constant 0.000000e+00 : f32
        %broadcast_in_dim3A_294 = vector.broadcast %jit3A_293 : f32 to vector<16xf32>
        %select_n3A_295 = arith.select %or3A_276, %sign3A_292, %broadcast_in_dim3A_294 : vector<16xi1>, vector<16xf32>
        %swap3A_296 = arith.index_cast %select_n3A_86 : i32 to index
        %swap3A_297 = arith.index_cast %mul3A_260 : i32 to index
        %swap3A_298 = tpu.vector_load %arg9[%swap3A_296, %swap3A_297] {strides = array<i32>} : memref<2x2048xf32, #tpu.memory_space<vmem>>, vector<16xf32>,
        tpu.vector_store %arg9[%swap3A_296, %swap3A_297], %select_n3A_295 {strides = array<i32>} : memref<2x2048xf32, #tpu.memory_space<vmem>>, vector<16xf32>,
        %all_reduce_population_count3A_299 = tpu.all_reduce %eq3A_263 {dim = 0 : i64, kind = #tpu.reduction_kind<sum>} : vector<16xi1> -> vector<16xi32>
        %add3A_300 = arith.addi %add3A_254, %all_reduce_population_count3A_299 : vector<16xi32>
        %mul3A_301 = arith.constant 4 : i32
        %mul3A_302 = arith.muli %mul3A_301, %scan3A_167 : i32
        %add3A_303 = arith.constant 3 : i32
        %add3A_304 = arith.addi %mul3A_302, %add3A_303 : i32
        %mul3A_305 = arith.constant 16 : i32
        %mul3A_306 = arith.muli %add3A_304, %mul3A_305 : i32
        %get3A_307 = arith.index_cast %mul3A_306 : i32 to index
        %get3A_308 = tpu.vector_load %arg10[%get3A_307] {strides = array<i32>} : memref<2048xf32, #tpu.memory_space<vmem>>, vector<16xf32>,
        %eq3A_309 = arith.cmpf oeq, %get3A_308, %broadcast_in_dim3A_139 : vector<16xf32>
        %jit3A_310 = arith.constant 1 : i32
        %jit3A_311 = arith.constant 0 : i32
        %broadcast_in_dim3A_312 = vector.broadcast %jit3A_310 : i32 to vector<16xi32>
        %broadcast_in_dim3A_313 = vector.broadcast %jit3A_311 : i32 to vector<16xi32>
        %select_n3A_314 = arith.select %eq3A_309, %broadcast_in_dim3A_312, %broadcast_in_dim3A_313 : vector<16xi1>, vector<16xi32>
        %broadcast_in_dim3A_315 = arith.constant true
        %broadcast_in_dim3A_316 = vector.broadcast %broadcast_in_dim3A_315 : i1 to vector<16xi1>
        %masked_cumsum3A_317 = tpu.scan <sum>, %select_n3A_314 masked %broadcast_in_dim3A_316 : vector<16xi32>, vector<16xi1> -> vector<16xi32>
        %gt3A_318 = arith.cmpf ogt, %get3A_308, %broadcast_in_dim3A_139 : vector<16xf32>
        %add3A_319 = arith.addi %masked_cumsum3A_317, %add3A_300 : vector<16xi32>
        %le3A_320 = arith.cmpi sle, %add3A_319, %sub3A : vector<16xi32>
        %and3A_321 = arith.andi %eq3A_309, %le3A_320 : vector<16xi1>
        %or3A_322 = arith.ori %gt3A_318, %and3A_321 : vector<16xi1>
        %get3A_323 = arith.index_cast %select_n3A_86 : i32 to index
        %get3A_324 = arith.index_cast %mul3A_306 : i32 to index
        %get3A_325 = tpu.vector_load %arg8[%get3A_323, %get3A_324] {strides = array<i32>} : memref<2x2048xf32, #tpu.memory_space<vmem>>, vector<16xf32>,
        %sign3A_326 = tpu.bitcast %get3A_325 : vector<16xf32> -> vector<16xi32>
        %sign3A_327 = arith.constant -2147483648 : i32
        %sign3A_328 = vector.broadcast %sign3A_327 : i32 to vector<16xi32>
        %sign3A_329 = arith.andi %sign3A_326, %sign3A_328 : vector<16xi32>
        %sign3A_330 = arith.constant 1065353216 : i32
        %sign3A_331 = vector.broadcast %sign3A_330 : i32 to vector<16xi32>
        %sign3A_332 = arith.ori %sign3A_331, %sign3A_329 : vector<16xi32>
        %sign3A_333 = tpu.bitcast %sign3A_332 : vector<16xi32> -> vector<16xf32>
        %sign3A_334 = math.absf %get3A_325 : vector<16xf32>
        %sign3A_335 = arith.constant 0.000000e+00 : f32
        %sign3A_336 = vector.broadcast %sign3A_335 : f32 to vector<16xf32>
        %sign3A_337 = arith.cmpf ogt, %sign3A_334, %sign3A_336 : vector<16xf32>
        %sign3A_338 = arith.select %sign3A_337, %sign3A_333, %get3A_325 : vector<16xi1>, vector<16xf32>
        %jit3A_339 = arith.constant 0.000000e+00 : f32
        %broadcast_in_dim3A_340 = vector.broadcast %jit3A_339 : f32 to vector<16xf32>
        %select_n3A_341 = arith.select %or3A_322, %sign3A_338, %broadcast_in_dim3A_340 : vector<16xi1>, vector<16xf32>
        %swap3A_342 = arith.index_cast %select_n3A_86 : i32 to index
        %swap3A_343 = arith.index_cast %mul3A_306 : i32 to index
        %swap3A_344 = tpu.vector_load %arg9[%swap3A_342, %swap3A_343] {strides = array<i32>} : memref<2x2048xf32, #tpu.memory_space<vmem>>, vector<16xf32>,
        tpu.vector_store %arg9[%swap3A_342, %swap3A_343], %select_n3A_341 {strides = array<i32>} : memref<2x2048xf32, #tpu.memory_space<vmem>>, vector<16xf32>,
        %all_reduce_population_count3A_345 = tpu.all_reduce %eq3A_309 {dim = 0 : i64, kind = #tpu.reduction_kind<sum>} : vector<16xi1> -> vector<16xi32>
        %add3A_346 = arith.addi %add3A_300, %all_reduce_population_count3A_345 : vector<16xi32>
        scf.yield %add3A_346 : vector<16xi32>
      }
      %scan3A_153 = arith.constant 32 : i32
      %add3A_154 = arith.addi %mul3A_2, %scan3A_77 : i32
      %dma_start3A_155 = arith.constant 0 : i32
      %dma_start3A_156 = tpu.memref_slice %arg9[%select_n3A_86, %dma_start3A_155] : memref<2x2048xf32, #tpu.memory_space<vmem>> -> memref<1x2048xf32, #tpu.memory_space<vmem>>
      %dma_start3A_157 = tpu.memref_squeeze %dma_start3A_156 : memref<1x2048xf32, #tpu.memory_space<vmem>> -> memref<2048xf32, #tpu.memory_space<vmem>>
      %dma_start3A_158 = arith.constant 0 : i32
      %dma_start3A_159 = tpu.memref_slice %arg5[%add3A_154, %dma_start3A_158] : memref<256x2048xf32, #tpu.memory_space<hbm>> -> memref<1x2048xf32, #tpu.memory_space<hbm>>
      %dma_start3A_160 = tpu.memref_squeeze %dma_start3A_159 : memref<1x2048xf32, #tpu.memory_space<hbm>> -> memref<2048xf32, #tpu.memory_space<hbm>>
      %dma_start3A_161 = arith.constant 0 : i32
      %dma_start3A_162 = tpu.memref_slice %arg5[%add3A_154, %dma_start3A_161] : memref<256x2048xf32, #tpu.memory_space<hbm>> -> memref<1x2048xf32, #tpu.memory_space<hbm>>
      %dma_start3A_163 = tpu.memref_squeeze %dma_start3A_162 : memref<1x2048xf32, #tpu.memory_space<hbm>> -> memref<2048xf32, #tpu.memory_space<hbm>>
      %dma_start3A_164 = arith.constant 0 : i32
      %dma_start3A_165 = tpu.memref_slice %arg9[%select_n3A_86, %dma_start3A_164] : memref<2x2048xf32, #tpu.memory_space<vmem>> -> memref<1x2048xf32, #tpu.memory_space<vmem>>
      %dma_start3A_166 = tpu.memref_squeeze %dma_start3A_165 : memref<1x2048xf32, #tpu.memory_space<vmem>> -> memref<2048xf32, #tpu.memory_space<vmem>>
      tpu.enqueue_dma source(%dma_start3A_166 : memref<2048xf32, #tpu.memory_space<vmem>>) target(%dma_start3A_163 : memref<2048xf32, #tpu.memory_space<hbm>>) target_semaphore(%arg12 : memref<!tpu.dma_semaphore, #tpu.memory_space<semaphore_mem>>)
    }
    %scan3A_47 = arith.constant 8 : i32
    %add3A_48 = arith.constant 6 : i32
    %add3A_49 = arith.addi %mul3A_2, %add3A_48 : i32
    %dma_wait3A = arith.constant 0 : i32
    %dma_wait3A_50 = arith.constant 0 : i32
    %dma_wait3A_51 = tpu.memref_slice %arg9[%dma_wait3A, %dma_wait3A_50] : memref<2x2048xf32, #tpu.memory_space<vmem>> -> memref<1x2048xf32, #tpu.memory_space<vmem>>
    %dma_wait3A_52 = tpu.memref_squeeze %dma_wait3A_51 : memref<1x2048xf32, #tpu.memory_space<vmem>> -> memref<2048xf32, #tpu.memory_space<vmem>>
    %dma_wait3A_53 = arith.constant 0 : i32
    %dma_wait3A_54 = tpu.memref_slice %arg5[%add3A_49, %dma_wait3A_53] : memref<256x2048xf32, #tpu.memory_space<hbm>> -> memref<1x2048xf32, #tpu.memory_space<hbm>>
    %dma_wait3A_55 = tpu.memref_squeeze %dma_wait3A_54 : memref<1x2048xf32, #tpu.memory_space<hbm>> -> memref<2048xf32, #tpu.memory_space<hbm>>
    %dma_wait3A_56 = arith.constant 0 : i32
    %dma_wait3A_57 = tpu.memref_slice %arg5[%add3A_49, %dma_wait3A_56] : memref<256x2048xf32, #tpu.memory_space<hbm>> -> memref<1x2048xf32, #tpu.memory_space<hbm>>
    %dma_wait3A_58 = tpu.memref_squeeze %dma_wait3A_57 : memref<1x2048xf32, #tpu.memory_space<hbm>> -> memref<2048xf32, #tpu.memory_space<hbm>>
    %dma_wait3A_59 = arith.constant 0 : i32
    %dma_wait3A_60 = tpu.memref_slice %arg9[%dma_wait3A, %dma_wait3A_59] : memref<2x2048xf32, #tpu.memory_space<vmem>> -> memref<1x2048xf32, #tpu.memory_space<vmem>>
    %dma_wait3A_61 = tpu.memref_squeeze %dma_wait3A_60 : memref<1x2048xf32, #tpu.memory_space<vmem>> -> memref<2048xf32, #tpu.memory_space<vmem>>
    tpu.wait_dma2 semaphore(%arg12 : memref<!tpu.dma_semaphore, #tpu.memory_space<semaphore_mem>>) src(%dma_wait3A_61 : memref<2048xf32, #tpu.memory_space<vmem>>) dst(%dma_wait3A_58 : memref<2048xf32, #tpu.memory_space<hbm>>)
    %add3A_62 = arith.constant 7 : i32
    %add3A_63 = arith.addi %mul3A_2, %add3A_62 : i32
    %dma_wait3A_64 = arith.constant 1 : i32
    %dma_wait3A_65 = arith.constant 0 : i32
    %dma_wait3A_66 = tpu.memref_slice %arg9[%dma_wait3A_64, %dma_wait3A_65] : memref<2x2048xf32, #tpu.memory_space<vmem>> -> memref<1x2048xf32, #tpu.memory_space<vmem>>
    %dma_wait3A_67 = tpu.memref_squeeze %dma_wait3A_66 : memref<1x2048xf32, #tpu.memory_space<vmem>> -> memref<2048xf32, #tpu.memory_space<vmem>>
    %dma_wait3A_68 = arith.constant 0 : i32
    %dma_wait3A_69 = tpu.memref_slice %arg5[%add3A_63, %dma_wait3A_68] : memref<256x2048xf32, #tpu.memory_space<hbm>> -> memref<1x2048xf32, #tpu.memory_space<hbm>>
    %dma_wait3A_70 = tpu.memref_squeeze %dma_wait3A_69 : memref<1x2048xf32, #tpu.memory_space<hbm>> -> memref<2048xf32, #tpu.memory_space<hbm>>
    %dma_wait3A_71 = arith.constant 0 : i32
    %dma_wait3A_72 = tpu.memref_slice %arg5[%add3A_63, %dma_wait3A_71] : memref<256x2048xf32, #tpu.memory_space<hbm>> -> memref<1x2048xf32, #tpu.memory_space<hbm>>
    %dma_wait3A_73 = tpu.memref_squeeze %dma_wait3A_72 : memref<1x2048xf32, #tpu.memory_space<hbm>> -> memref<2048xf32, #tpu.memory_space<hbm>>
    %dma_wait3A_74 = arith.constant 0 : i32
    %dma_wait3A_75 = tpu.memref_slice %arg9[%dma_wait3A_64, %dma_wait3A_74] : memref<2x2048xf32, #tpu.memory_space<vmem>> -> memref<1x2048xf32, #tpu.memory_space<vmem>>
    %dma_wait3A_76 = tpu.memref_squeeze %dma_wait3A_75 : memref<1x2048xf32, #tpu.memory_space<vmem>> -> memref<2048xf32, #tpu.memory_space<vmem>>
    tpu.wait_dma2 semaphore(%arg12 : memref<!tpu.dma_semaphore, #tpu.memory_space<semaphore_mem>>) src(%dma_wait3A_76 : memref<2048xf32, #tpu.memory_space<vmem>>) dst(%dma_wait3A_73 : memref<2048xf32, #tpu.memory_space<hbm>>)
    return
  }
}

module attributes {stable_mosaic.version = 14 : i64} {
  func.func @_matmul_kernel(%arg0: i32, %arg1: i32, %arg2: memref<1024x2048xf32, #tpu.memory_space<vmem>>, %arg3: memref<1024x2048xf32, #tpu.memory_space<vmem>>, %arg4: memref<1024x1024xf32, #tpu.memory_space<vmem>>) attributes {dimension_semantics = [#tpu.dimension_semantics<arbitrary>, #tpu.dimension_semantics<arbitrary>], iteration_bounds = array<i64: 4, 1>, scalar_prefetch = 0 : i64, scratch_operands = 0 : i64, tpu.core_type = #tpu.core_type<tc>, window_params = [{transform_indices = @transform_0, window_bounds = array<i64: 1024, 2048>}, {transform_indices = @transform_1, window_bounds = array<i64: 1024, 2048>}, {transform_indices = @transform_2, window_bounds = array<i64: 1024, 1024>}]} {
    %get3A = arith.constant 0 : index
    %get3A_0 = arith.constant 0 : index
    %get3A_1 = vector.load %arg2[%get3A, %get3A_0] : memref<1024x2048xf32, #tpu.memory_space<vmem>>, vector<1024x2048xf32>
    %convert_element_type3A = arith.truncf %get3A_1 : vector<1024x2048xf32> to vector<1024x2048xbf16>
    %get3A_2 = arith.constant 0 : index
    %get3A_3 = arith.constant 0 : index
    %get3A_4 = vector.load %arg3[%get3A_2, %get3A_3] : memref<1024x2048xf32, #tpu.memory_space<vmem>>, vector<1024x2048xf32>
    %convert_element_type3A_5 = arith.truncf %get3A_4 : vector<1024x2048xf32> to vector<1024x2048xbf16>
    %dot_general3A = arith.constant dense<0.000000e+00> : vector<1024x1024xf32>
    %dot_general3A_6 = tpu.matmul %convert_element_type3A, %convert_element_type3A_5, %dot_general3A {dimension_numbers = #tpu.dot_dimension_numbers<[1], [1], [0], [0], [0, 0, 1, 0], [], []>, transpose_lhs_hint = false} : vector<1024x2048xbf16>, vector<1024x2048xbf16>, vector<1024x1024xf32> -> vector<1024x1024xf32>
    %swap3A = arith.constant 0 : index
    %swap3A_7 = arith.constant 0 : index
    %swap3A_8 = vector.load %arg4[%swap3A, %swap3A_7] : memref<1024x1024xf32, #tpu.memory_space<vmem>>, vector<1024x1024xf32>
    tpu.vector_store %arg4[%swap3A, %swap3A_7], %dot_general3A_6 {strides = array<i32>} : memref<1024x1024xf32, #tpu.memory_space<vmem>>, vector<1024x1024xf32>,
    return
  }
  func.func @transform_0(%arg0: i32, %arg1: i32) -> (i32, i32) {
    %c0_i32 = arith.constant 0 : i32
    %c0_i32_0 = arith.constant 0 : i32
    return %arg0, %c0_i32 : i32, i32
  }
  func.func @transform_1(%arg0: i32, %arg1: i32) -> (i32, i32) {
    %c0_i32 = arith.constant 0 : i32
    %c0_i32_0 = arith.constant 0 : i32
    return %arg1, %c0_i32 : i32, i32
  }
  func.func @transform_2(%arg0: i32, %arg1: i32) -> (i32, i32) {
    %c0_i32 = arith.constant 0 : i32
    return %arg0, %arg1 : i32, i32
  }
}

module attributes {stable_mosaic.version = 14 : i64} {
  func.func @_tc_mask_kernel(%arg0: i32, %arg1: memref<128x2048xf32, #tpu.memory_space<vmem>>, %arg2: memref<128x2048xf32, #tpu.memory_space<vmem>>, %arg3: memref<128x2048xf32, #tpu.memory_space<vmem>>, %arg4: memref<128x2048xf32, #tpu.memory_space<vmem>>) attributes {dimension_semantics = [#tpu.dimension_semantics<arbitrary>], iteration_bounds = array<i64: 6>, scalar_prefetch = 0 : i64, scratch_operands = 0 : i64, tpu.core_type = #tpu.core_type<tc>, window_params = [{transform_indices = @transform_0, window_bounds = array<i64: 128, 2048>}, {transform_indices = @transform_1, window_bounds = array<i64: 128, 2048>}, {transform_indices = @transform_2, window_bounds = array<i64: 128, 2048>}, {transform_indices = @transform_3, window_bounds = array<i64: 128, 2048>}]} {
    %get3A = arith.constant 0 : index
    %get3A_0 = arith.constant 0 : index
    %get3A_1 = vector.load %arg1[%get3A, %get3A_0] : memref<128x2048xf32, #tpu.memory_space<vmem>>, vector<128x2048xf32>
    %get3A_2 = arith.constant 0 : index
    %get3A_3 = arith.constant 0 : index
    %get3A_4 = vector.load %arg2[%get3A_2, %get3A_3] : memref<128x2048xf32, #tpu.memory_space<vmem>>, vector<128x2048xf32>
    %add3A = arith.addf %get3A_1, %get3A_4 : vector<128x2048xf32>
    %broadcast_in_dim3A = arith.constant 0.000000e+00 : f32
    %broadcast_in_dim3A_5 = vector.broadcast %broadcast_in_dim3A : f32 to vector<128x1xf32>
    %broadcast_in_dim3A_6 = arith.constant 0xFF800000 : f32
    %broadcast_in_dim3A_7 = vector.broadcast %broadcast_in_dim3A_6 : f32 to vector<128x1xf32>
    %broadcast_in_dim3A_8 = arith.constant 0.000000e+00 : f32
    %broadcast_in_dim3A_9 = vector.broadcast %broadcast_in_dim3A_8 : f32 to vector<128x1xf32>
    %reduce_max3A = arith.constant dense<0xFF800000> : vector<128xf32>
    %reduce_max3A_10 = vector.multi_reduction <maximumf>, %add3A, %reduce_max3A [1] : vector<128x2048xf32> to vector<128xf32>
    %broadcast_in_dim3A_11 = vector.shape_cast %reduce_max3A_10 : vector<128xf32> to vector<128x1xf32>
    %eq3A = vector.broadcast %broadcast_in_dim3A_11 : vector<128x1xf32> to vector<128x2048xf32>
    %eq3A_12 = arith.cmpf oeq, %add3A, %eq3A : vector<128x2048xf32>
    %convert_element_type3A = arith.extui %eq3A_12 : vector<128x2048xi1> to vector<128x2048xi32>
    %convert_element_type3A_13 = arith.sitofp %convert_element_type3A : vector<128x2048xi32> to vector<128x2048xf32>
    %reduce_sum3A = arith.constant dense<0.000000e+00> : vector<128xf32>
    %reduce_sum3A_14 = vector.multi_reduction <add>, %convert_element_type3A_13, %reduce_sum3A [1] : vector<128x2048xf32> to vector<128xf32>
    %broadcast_in_dim3A_15 = vector.shape_cast %reduce_sum3A_14 : vector<128xf32> to vector<128x1xf32>
    %add3A_16 = arith.addf %broadcast_in_dim3A_5, %broadcast_in_dim3A_15 : vector<128x1xf32>
    %lt3A = arith.constant 1.600000e+01 : f32
    %lt3A_17 = vector.broadcast %lt3A : f32 to vector<128x1xf32>
    %lt3A_18 = arith.cmpf olt, %broadcast_in_dim3A_5, %lt3A_17 : vector<128x1xf32>
    %ge3A = arith.constant 1.600000e+01 : f32
    %ge3A_19 = vector.broadcast %ge3A : f32 to vector<128x1xf32>
    %ge3A_20 = arith.cmpf oge, %add3A_16, %ge3A_19 : vector<128x1xf32>
    %and3A = arith.andi %lt3A_18, %ge3A_20 : vector<128x1xi1>
    %select_n3A = arith.select %and3A, %broadcast_in_dim3A_11, %broadcast_in_dim3A_7 : vector<128x1xi1>, vector<128x1xf32>
    %select_n3A_21 = arith.select %and3A, %broadcast_in_dim3A_5, %broadcast_in_dim3A_9 : vector<128x1xi1>, vector<128x1xf32>
    %jit3A = arith.constant 0xFF800000 : f32
    %broadcast_in_dim3A_22 = vector.broadcast %jit3A : f32 to vector<128x2048xf32>
    %select_n3A_23 = arith.select %eq3A_12, %broadcast_in_dim3A_22, %add3A : vector<128x2048xi1>, vector<128x2048xf32>
    %reduce_max3A_24 = arith.constant dense<0xFF800000> : vector<128xf32>
    %reduce_max3A_25 = vector.multi_reduction <maximumf>, %select_n3A_23, %reduce_max3A_24 [1] : vector<128x2048xf32> to vector<128xf32>
    %broadcast_in_dim3A_26 = vector.shape_cast %reduce_max3A_25 : vector<128xf32> to vector<128x1xf32>
    %eq3A_27 = vector.broadcast %broadcast_in_dim3A_26 : vector<128x1xf32> to vector<128x2048xf32>
    %eq3A_28 = arith.cmpf oeq, %select_n3A_23, %eq3A_27 : vector<128x2048xf32>
    %convert_element_type3A_29 = arith.extui %eq3A_28 : vector<128x2048xi1> to vector<128x2048xi32>
    %convert_element_type3A_30 = arith.sitofp %convert_element_type3A_29 : vector<128x2048xi32> to vector<128x2048xf32>
    %reduce_sum3A_31 = arith.constant dense<0.000000e+00> : vector<128xf32>
    %reduce_sum3A_32 = vector.multi_reduction <add>, %convert_element_type3A_30, %reduce_sum3A_31 [1] : vector<128x2048xf32> to vector<128xf32>
    %broadcast_in_dim3A_33 = vector.shape_cast %reduce_sum3A_32 : vector<128xf32> to vector<128x1xf32>
    %add3A_34 = arith.addf %add3A_16, %broadcast_in_dim3A_33 : vector<128x1xf32>
    %lt3A_35 = arith.constant 1.600000e+01 : f32
    %lt3A_36 = vector.broadcast %lt3A_35 : f32 to vector<128x1xf32>
    %lt3A_37 = arith.cmpf olt, %add3A_16, %lt3A_36 : vector<128x1xf32>
    %ge3A_38 = arith.constant 1.600000e+01 : f32
    %ge3A_39 = vector.broadcast %ge3A_38 : f32 to vector<128x1xf32>
    %ge3A_40 = arith.cmpf oge, %add3A_34, %ge3A_39 : vector<128x1xf32>
    %and3A_41 = arith.andi %lt3A_37, %ge3A_40 : vector<128x1xi1>
    %select_n3A_42 = arith.select %and3A_41, %broadcast_in_dim3A_26, %select_n3A : vector<128x1xi1>, vector<128x1xf32>
    %select_n3A_43 = arith.select %and3A_41, %add3A_16, %select_n3A_21 : vector<128x1xi1>, vector<128x1xf32>
    %jit3A_44 = arith.constant 0xFF800000 : f32
    %broadcast_in_dim3A_45 = vector.broadcast %jit3A_44 : f32 to vector<128x2048xf32>
    %select_n3A_46 = arith.select %eq3A_28, %broadcast_in_dim3A_45, %select_n3A_23 : vector<128x2048xi1>, vector<128x2048xf32>
    %reduce_max3A_47 = arith.constant dense<0xFF800000> : vector<128xf32>
    %reduce_max3A_48 = vector.multi_reduction <maximumf>, %select_n3A_46, %reduce_max3A_47 [1] : vector<128x2048xf32> to vector<128xf32>
    %broadcast_in_dim3A_49 = vector.shape_cast %reduce_max3A_48 : vector<128xf32> to vector<128x1xf32>
    %eq3A_50 = vector.broadcast %broadcast_in_dim3A_49 : vector<128x1xf32> to vector<128x2048xf32>
    %eq3A_51 = arith.cmpf oeq, %select_n3A_46, %eq3A_50 : vector<128x2048xf32>
    %convert_element_type3A_52 = arith.extui %eq3A_51 : vector<128x2048xi1> to vector<128x2048xi32>
    %convert_element_type3A_53 = arith.sitofp %convert_element_type3A_52 : vector<128x2048xi32> to vector<128x2048xf32>
    %reduce_sum3A_54 = arith.constant dense<0.000000e+00> : vector<128xf32>
    %reduce_sum3A_55 = vector.multi_reduction <add>, %convert_element_type3A_53, %reduce_sum3A_54 [1] : vector<128x2048xf32> to vector<128xf32>
    %broadcast_in_dim3A_56 = vector.shape_cast %reduce_sum3A_55 : vector<128xf32> to vector<128x1xf32>
    %add3A_57 = arith.addf %add3A_34, %broadcast_in_dim3A_56 : vector<128x1xf32>
    %lt3A_58 = arith.constant 1.600000e+01 : f32
    %lt3A_59 = vector.broadcast %lt3A_58 : f32 to vector<128x1xf32>
    %lt3A_60 = arith.cmpf olt, %add3A_34, %lt3A_59 : vector<128x1xf32>
    %ge3A_61 = arith.constant 1.600000e+01 : f32
    %ge3A_62 = vector.broadcast %ge3A_61 : f32 to vector<128x1xf32>
    %ge3A_63 = arith.cmpf oge, %add3A_57, %ge3A_62 : vector<128x1xf32>
    %and3A_64 = arith.andi %lt3A_60, %ge3A_63 : vector<128x1xi1>
    %select_n3A_65 = arith.select %and3A_64, %broadcast_in_dim3A_49, %select_n3A_42 : vector<128x1xi1>, vector<128x1xf32>
    %select_n3A_66 = arith.select %and3A_64, %add3A_34, %select_n3A_43 : vector<128x1xi1>, vector<128x1xf32>
    %jit3A_67 = arith.constant 0xFF800000 : f32
    %broadcast_in_dim3A_68 = vector.broadcast %jit3A_67 : f32 to vector<128x2048xf32>
    %select_n3A_69 = arith.select %eq3A_51, %broadcast_in_dim3A_68, %select_n3A_46 : vector<128x2048xi1>, vector<128x2048xf32>
    %reduce_max3A_70 = arith.constant dense<0xFF800000> : vector<128xf32>
    %reduce_max3A_71 = vector.multi_reduction <maximumf>, %select_n3A_69, %reduce_max3A_70 [1] : vector<128x2048xf32> to vector<128xf32>
    %broadcast_in_dim3A_72 = vector.shape_cast %reduce_max3A_71 : vector<128xf32> to vector<128x1xf32>
    %eq3A_73 = vector.broadcast %broadcast_in_dim3A_72 : vector<128x1xf32> to vector<128x2048xf32>
    %eq3A_74 = arith.cmpf oeq, %select_n3A_69, %eq3A_73 : vector<128x2048xf32>
    %convert_element_type3A_75 = arith.extui %eq3A_74 : vector<128x2048xi1> to vector<128x2048xi32>
    %convert_element_type3A_76 = arith.sitofp %convert_element_type3A_75 : vector<128x2048xi32> to vector<128x2048xf32>
    %reduce_sum3A_77 = arith.constant dense<0.000000e+00> : vector<128xf32>
    %reduce_sum3A_78 = vector.multi_reduction <add>, %convert_element_type3A_76, %reduce_sum3A_77 [1] : vector<128x2048xf32> to vector<128xf32>
    %broadcast_in_dim3A_79 = vector.shape_cast %reduce_sum3A_78 : vector<128xf32> to vector<128x1xf32>
    %add3A_80 = arith.addf %add3A_57, %broadcast_in_dim3A_79 : vector<128x1xf32>
    %lt3A_81 = arith.constant 1.600000e+01 : f32
    %lt3A_82 = vector.broadcast %lt3A_81 : f32 to vector<128x1xf32>
    %lt3A_83 = arith.cmpf olt, %add3A_57, %lt3A_82 : vector<128x1xf32>
    %ge3A_84 = arith.constant 1.600000e+01 : f32
    %ge3A_85 = vector.broadcast %ge3A_84 : f32 to vector<128x1xf32>
    %ge3A_86 = arith.cmpf oge, %add3A_80, %ge3A_85 : vector<128x1xf32>
    %and3A_87 = arith.andi %lt3A_83, %ge3A_86 : vector<128x1xi1>
    %select_n3A_88 = arith.select %and3A_87, %broadcast_in_dim3A_72, %select_n3A_65 : vector<128x1xi1>, vector<128x1xf32>
    %select_n3A_89 = arith.select %and3A_87, %add3A_57, %select_n3A_66 : vector<128x1xi1>, vector<128x1xf32>
    %jit3A_90 = arith.constant 0xFF800000 : f32
    %broadcast_in_dim3A_91 = vector.broadcast %jit3A_90 : f32 to vector<128x2048xf32>
    %select_n3A_92 = arith.select %eq3A_74, %broadcast_in_dim3A_91, %select_n3A_69 : vector<128x2048xi1>, vector<128x2048xf32>
    %reduce_max3A_93 = arith.constant dense<0xFF800000> : vector<128xf32>
    %reduce_max3A_94 = vector.multi_reduction <maximumf>, %select_n3A_92, %reduce_max3A_93 [1] : vector<128x2048xf32> to vector<128xf32>
    %broadcast_in_dim3A_95 = vector.shape_cast %reduce_max3A_94 : vector<128xf32> to vector<128x1xf32>
    %eq3A_96 = vector.broadcast %broadcast_in_dim3A_95 : vector<128x1xf32> to vector<128x2048xf32>
    %eq3A_97 = arith.cmpf oeq, %select_n3A_92, %eq3A_96 : vector<128x2048xf32>
    %convert_element_type3A_98 = arith.extui %eq3A_97 : vector<128x2048xi1> to vector<128x2048xi32>
    %convert_element_type3A_99 = arith.sitofp %convert_element_type3A_98 : vector<128x2048xi32> to vector<128x2048xf32>
    %reduce_sum3A_100 = arith.constant dense<0.000000e+00> : vector<128xf32>
    %reduce_sum3A_101 = vector.multi_reduction <add>, %convert_element_type3A_99, %reduce_sum3A_100 [1] : vector<128x2048xf32> to vector<128xf32>
    %broadcast_in_dim3A_102 = vector.shape_cast %reduce_sum3A_101 : vector<128xf32> to vector<128x1xf32>
    %add3A_103 = arith.addf %add3A_80, %broadcast_in_dim3A_102 : vector<128x1xf32>
    %lt3A_104 = arith.constant 1.600000e+01 : f32
    %lt3A_105 = vector.broadcast %lt3A_104 : f32 to vector<128x1xf32>
    %lt3A_106 = arith.cmpf olt, %add3A_80, %lt3A_105 : vector<128x1xf32>
    %ge3A_107 = arith.constant 1.600000e+01 : f32
    %ge3A_108 = vector.broadcast %ge3A_107 : f32 to vector<128x1xf32>
    %ge3A_109 = arith.cmpf oge, %add3A_103, %ge3A_108 : vector<128x1xf32>
    %and3A_110 = arith.andi %lt3A_106, %ge3A_109 : vector<128x1xi1>
    %select_n3A_111 = arith.select %and3A_110, %broadcast_in_dim3A_95, %select_n3A_88 : vector<128x1xi1>, vector<128x1xf32>
    %select_n3A_112 = arith.select %and3A_110, %add3A_80, %select_n3A_89 : vector<128x1xi1>, vector<128x1xf32>
    %jit3A_113 = arith.constant 0xFF800000 : f32
    %broadcast_in_dim3A_114 = vector.broadcast %jit3A_113 : f32 to vector<128x2048xf32>
    %select_n3A_115 = arith.select %eq3A_97, %broadcast_in_dim3A_114, %select_n3A_92 : vector<128x2048xi1>, vector<128x2048xf32>
    %reduce_max3A_116 = arith.constant dense<0xFF800000> : vector<128xf32>
    %reduce_max3A_117 = vector.multi_reduction <maximumf>, %select_n3A_115, %reduce_max3A_116 [1] : vector<128x2048xf32> to vector<128xf32>
    %broadcast_in_dim3A_118 = vector.shape_cast %reduce_max3A_117 : vector<128xf32> to vector<128x1xf32>
    %eq3A_119 = vector.broadcast %broadcast_in_dim3A_118 : vector<128x1xf32> to vector<128x2048xf32>
    %eq3A_120 = arith.cmpf oeq, %select_n3A_115, %eq3A_119 : vector<128x2048xf32>
    %convert_element_type3A_121 = arith.extui %eq3A_120 : vector<128x2048xi1> to vector<128x2048xi32>
    %convert_element_type3A_122 = arith.sitofp %convert_element_type3A_121 : vector<128x2048xi32> to vector<128x2048xf32>
    %reduce_sum3A_123 = arith.constant dense<0.000000e+00> : vector<128xf32>
    %reduce_sum3A_124 = vector.multi_reduction <add>, %convert_element_type3A_122, %reduce_sum3A_123 [1] : vector<128x2048xf32> to vector<128xf32>
    %broadcast_in_dim3A_125 = vector.shape_cast %reduce_sum3A_124 : vector<128xf32> to vector<128x1xf32>
    %add3A_126 = arith.addf %add3A_103, %broadcast_in_dim3A_125 : vector<128x1xf32>
    %lt3A_127 = arith.constant 1.600000e+01 : f32
    %lt3A_128 = vector.broadcast %lt3A_127 : f32 to vector<128x1xf32>
    %lt3A_129 = arith.cmpf olt, %add3A_103, %lt3A_128 : vector<128x1xf32>
    %ge3A_130 = arith.constant 1.600000e+01 : f32
    %ge3A_131 = vector.broadcast %ge3A_130 : f32 to vector<128x1xf32>
    %ge3A_132 = arith.cmpf oge, %add3A_126, %ge3A_131 : vector<128x1xf32>
    %and3A_133 = arith.andi %lt3A_129, %ge3A_132 : vector<128x1xi1>
    %select_n3A_134 = arith.select %and3A_133, %broadcast_in_dim3A_118, %select_n3A_111 : vector<128x1xi1>, vector<128x1xf32>
    %select_n3A_135 = arith.select %and3A_133, %add3A_103, %select_n3A_112 : vector<128x1xi1>, vector<128x1xf32>
    %jit3A_136 = arith.constant 0xFF800000 : f32
    %broadcast_in_dim3A_137 = vector.broadcast %jit3A_136 : f32 to vector<128x2048xf32>
    %select_n3A_138 = arith.select %eq3A_120, %broadcast_in_dim3A_137, %select_n3A_115 : vector<128x2048xi1>, vector<128x2048xf32>
    %reduce_max3A_139 = arith.constant dense<0xFF800000> : vector<128xf32>
    %reduce_max3A_140 = vector.multi_reduction <maximumf>, %select_n3A_138, %reduce_max3A_139 [1] : vector<128x2048xf32> to vector<128xf32>
    %broadcast_in_dim3A_141 = vector.shape_cast %reduce_max3A_140 : vector<128xf32> to vector<128x1xf32>
    %eq3A_142 = vector.broadcast %broadcast_in_dim3A_141 : vector<128x1xf32> to vector<128x2048xf32>
    %eq3A_143 = arith.cmpf oeq, %select_n3A_138, %eq3A_142 : vector<128x2048xf32>
    %convert_element_type3A_144 = arith.extui %eq3A_143 : vector<128x2048xi1> to vector<128x2048xi32>
    %convert_element_type3A_145 = arith.sitofp %convert_element_type3A_144 : vector<128x2048xi32> to vector<128x2048xf32>
    %reduce_sum3A_146 = arith.constant dense<0.000000e+00> : vector<128xf32>
    %reduce_sum3A_147 = vector.multi_reduction <add>, %convert_element_type3A_145, %reduce_sum3A_146 [1] : vector<128x2048xf32> to vector<128xf32>
    %broadcast_in_dim3A_148 = vector.shape_cast %reduce_sum3A_147 : vector<128xf32> to vector<128x1xf32>
    %add3A_149 = arith.addf %add3A_126, %broadcast_in_dim3A_148 : vector<128x1xf32>
    %lt3A_150 = arith.constant 1.600000e+01 : f32
    %lt3A_151 = vector.broadcast %lt3A_150 : f32 to vector<128x1xf32>
    %lt3A_152 = arith.cmpf olt, %add3A_126, %lt3A_151 : vector<128x1xf32>
    %ge3A_153 = arith.constant 1.600000e+01 : f32
    %ge3A_154 = vector.broadcast %ge3A_153 : f32 to vector<128x1xf32>
    %ge3A_155 = arith.cmpf oge, %add3A_149, %ge3A_154 : vector<128x1xf32>
    %and3A_156 = arith.andi %lt3A_152, %ge3A_155 : vector<128x1xi1>
    %select_n3A_157 = arith.select %and3A_156, %broadcast_in_dim3A_141, %select_n3A_134 : vector<128x1xi1>, vector<128x1xf32>
    %select_n3A_158 = arith.select %and3A_156, %add3A_126, %select_n3A_135 : vector<128x1xi1>, vector<128x1xf32>
    %jit3A_159 = arith.constant 0xFF800000 : f32
    %broadcast_in_dim3A_160 = vector.broadcast %jit3A_159 : f32 to vector<128x2048xf32>
    %select_n3A_161 = arith.select %eq3A_143, %broadcast_in_dim3A_160, %select_n3A_138 : vector<128x2048xi1>, vector<128x2048xf32>
    %reduce_max3A_162 = arith.constant dense<0xFF800000> : vector<128xf32>
    %reduce_max3A_163 = vector.multi_reduction <maximumf>, %select_n3A_161, %reduce_max3A_162 [1] : vector<128x2048xf32> to vector<128xf32>
    %broadcast_in_dim3A_164 = vector.shape_cast %reduce_max3A_163 : vector<128xf32> to vector<128x1xf32>
    %eq3A_165 = vector.broadcast %broadcast_in_dim3A_164 : vector<128x1xf32> to vector<128x2048xf32>
    %eq3A_166 = arith.cmpf oeq, %select_n3A_161, %eq3A_165 : vector<128x2048xf32>
    %convert_element_type3A_167 = arith.extui %eq3A_166 : vector<128x2048xi1> to vector<128x2048xi32>
    %convert_element_type3A_168 = arith.sitofp %convert_element_type3A_167 : vector<128x2048xi32> to vector<128x2048xf32>
    %reduce_sum3A_169 = arith.constant dense<0.000000e+00> : vector<128xf32>
    %reduce_sum3A_170 = vector.multi_reduction <add>, %convert_element_type3A_168, %reduce_sum3A_169 [1] : vector<128x2048xf32> to vector<128xf32>
    %broadcast_in_dim3A_171 = vector.shape_cast %reduce_sum3A_170 : vector<128xf32> to vector<128x1xf32>
    %add3A_172 = arith.addf %add3A_149, %broadcast_in_dim3A_171 : vector<128x1xf32>
    %lt3A_173 = arith.constant 1.600000e+01 : f32
    %lt3A_174 = vector.broadcast %lt3A_173 : f32 to vector<128x1xf32>
    %lt3A_175 = arith.cmpf olt, %add3A_149, %lt3A_174 : vector<128x1xf32>
    %ge3A_176 = arith.constant 1.600000e+01 : f32
    %ge3A_177 = vector.broadcast %ge3A_176 : f32 to vector<128x1xf32>
    %ge3A_178 = arith.cmpf oge, %add3A_172, %ge3A_177 : vector<128x1xf32>
    %and3A_179 = arith.andi %lt3A_175, %ge3A_178 : vector<128x1xi1>
    %select_n3A_180 = arith.select %and3A_179, %broadcast_in_dim3A_164, %select_n3A_157 : vector<128x1xi1>, vector<128x1xf32>
    %select_n3A_181 = arith.select %and3A_179, %add3A_149, %select_n3A_158 : vector<128x1xi1>, vector<128x1xf32>
    %jit3A_182 = arith.constant 0xFF800000 : f32
    %broadcast_in_dim3A_183 = vector.broadcast %jit3A_182 : f32 to vector<128x2048xf32>
    %select_n3A_184 = arith.select %eq3A_166, %broadcast_in_dim3A_183, %select_n3A_161 : vector<128x2048xi1>, vector<128x2048xf32>
    %reduce_max3A_185 = arith.constant dense<0xFF800000> : vector<128xf32>
    %reduce_max3A_186 = vector.multi_reduction <maximumf>, %select_n3A_184, %reduce_max3A_185 [1] : vector<128x2048xf32> to vector<128xf32>
    %broadcast_in_dim3A_187 = vector.shape_cast %reduce_max3A_186 : vector<128xf32> to vector<128x1xf32>
    %eq3A_188 = vector.broadcast %broadcast_in_dim3A_187 : vector<128x1xf32> to vector<128x2048xf32>
    %eq3A_189 = arith.cmpf oeq, %select_n3A_184, %eq3A_188 : vector<128x2048xf32>
    %convert_element_type3A_190 = arith.extui %eq3A_189 : vector<128x2048xi1> to vector<128x2048xi32>
    %convert_element_type3A_191 = arith.sitofp %convert_element_type3A_190 : vector<128x2048xi32> to vector<128x2048xf32>
    %reduce_sum3A_192 = arith.constant dense<0.000000e+00> : vector<128xf32>
    %reduce_sum3A_193 = vector.multi_reduction <add>, %convert_element_type3A_191, %reduce_sum3A_192 [1] : vector<128x2048xf32> to vector<128xf32>
    %broadcast_in_dim3A_194 = vector.shape_cast %reduce_sum3A_193 : vector<128xf32> to vector<128x1xf32>
    %add3A_195 = arith.addf %add3A_172, %broadcast_in_dim3A_194 : vector<128x1xf32>
    %lt3A_196 = arith.constant 1.600000e+01 : f32
    %lt3A_197 = vector.broadcast %lt3A_196 : f32 to vector<128x1xf32>
    %lt3A_198 = arith.cmpf olt, %add3A_172, %lt3A_197 : vector<128x1xf32>
    %ge3A_199 = arith.constant 1.600000e+01 : f32
    %ge3A_200 = vector.broadcast %ge3A_199 : f32 to vector<128x1xf32>
    %ge3A_201 = arith.cmpf oge, %add3A_195, %ge3A_200 : vector<128x1xf32>
    %and3A_202 = arith.andi %lt3A_198, %ge3A_201 : vector<128x1xi1>
    %select_n3A_203 = arith.select %and3A_202, %broadcast_in_dim3A_187, %select_n3A_180 : vector<128x1xi1>, vector<128x1xf32>
    %select_n3A_204 = arith.select %and3A_202, %add3A_172, %select_n3A_181 : vector<128x1xi1>, vector<128x1xf32>
    %jit3A_205 = arith.constant 0xFF800000 : f32
    %broadcast_in_dim3A_206 = vector.broadcast %jit3A_205 : f32 to vector<128x2048xf32>
    %select_n3A_207 = arith.select %eq3A_189, %broadcast_in_dim3A_206, %select_n3A_184 : vector<128x2048xi1>, vector<128x2048xf32>
    %reduce_max3A_208 = arith.constant dense<0xFF800000> : vector<128xf32>
    %reduce_max3A_209 = vector.multi_reduction <maximumf>, %select_n3A_207, %reduce_max3A_208 [1] : vector<128x2048xf32> to vector<128xf32>
    %broadcast_in_dim3A_210 = vector.shape_cast %reduce_max3A_209 : vector<128xf32> to vector<128x1xf32>
    %eq3A_211 = vector.broadcast %broadcast_in_dim3A_210 : vector<128x1xf32> to vector<128x2048xf32>
    %eq3A_212 = arith.cmpf oeq, %select_n3A_207, %eq3A_211 : vector<128x2048xf32>
    %convert_element_type3A_213 = arith.extui %eq3A_212 : vector<128x2048xi1> to vector<128x2048xi32>
    %convert_element_type3A_214 = arith.sitofp %convert_element_type3A_213 : vector<128x2048xi32> to vector<128x2048xf32>
    %reduce_sum3A_215 = arith.constant dense<0.000000e+00> : vector<128xf32>
    %reduce_sum3A_216 = vector.multi_reduction <add>, %convert_element_type3A_214, %reduce_sum3A_215 [1] : vector<128x2048xf32> to vector<128xf32>
    %broadcast_in_dim3A_217 = vector.shape_cast %reduce_sum3A_216 : vector<128xf32> to vector<128x1xf32>
    %add3A_218 = arith.addf %add3A_195, %broadcast_in_dim3A_217 : vector<128x1xf32>
    %lt3A_219 = arith.constant 1.600000e+01 : f32
    %lt3A_220 = vector.broadcast %lt3A_219 : f32 to vector<128x1xf32>
    %lt3A_221 = arith.cmpf olt, %add3A_195, %lt3A_220 : vector<128x1xf32>
    %ge3A_222 = arith.constant 1.600000e+01 : f32
    %ge3A_223 = vector.broadcast %ge3A_222 : f32 to vector<128x1xf32>
    %ge3A_224 = arith.cmpf oge, %add3A_218, %ge3A_223 : vector<128x1xf32>
    %and3A_225 = arith.andi %lt3A_221, %ge3A_224 : vector<128x1xi1>
    %select_n3A_226 = arith.select %and3A_225, %broadcast_in_dim3A_210, %select_n3A_203 : vector<128x1xi1>, vector<128x1xf32>
    %select_n3A_227 = arith.select %and3A_225, %add3A_195, %select_n3A_204 : vector<128x1xi1>, vector<128x1xf32>
    %jit3A_228 = arith.constant 0xFF800000 : f32
    %broadcast_in_dim3A_229 = vector.broadcast %jit3A_228 : f32 to vector<128x2048xf32>
    %select_n3A_230 = arith.select %eq3A_212, %broadcast_in_dim3A_229, %select_n3A_207 : vector<128x2048xi1>, vector<128x2048xf32>
    %reduce_max3A_231 = arith.constant dense<0xFF800000> : vector<128xf32>
    %reduce_max3A_232 = vector.multi_reduction <maximumf>, %select_n3A_230, %reduce_max3A_231 [1] : vector<128x2048xf32> to vector<128xf32>
    %broadcast_in_dim3A_233 = vector.shape_cast %reduce_max3A_232 : vector<128xf32> to vector<128x1xf32>
    %eq3A_234 = vector.broadcast %broadcast_in_dim3A_233 : vector<128x1xf32> to vector<128x2048xf32>
    %eq3A_235 = arith.cmpf oeq, %select_n3A_230, %eq3A_234 : vector<128x2048xf32>
    %convert_element_type3A_236 = arith.extui %eq3A_235 : vector<128x2048xi1> to vector<128x2048xi32>
    %convert_element_type3A_237 = arith.sitofp %convert_element_type3A_236 : vector<128x2048xi32> to vector<128x2048xf32>
    %reduce_sum3A_238 = arith.constant dense<0.000000e+00> : vector<128xf32>
    %reduce_sum3A_239 = vector.multi_reduction <add>, %convert_element_type3A_237, %reduce_sum3A_238 [1] : vector<128x2048xf32> to vector<128xf32>
    %broadcast_in_dim3A_240 = vector.shape_cast %reduce_sum3A_239 : vector<128xf32> to vector<128x1xf32>
    %add3A_241 = arith.addf %add3A_218, %broadcast_in_dim3A_240 : vector<128x1xf32>
    %lt3A_242 = arith.constant 1.600000e+01 : f32
    %lt3A_243 = vector.broadcast %lt3A_242 : f32 to vector<128x1xf32>
    %lt3A_244 = arith.cmpf olt, %add3A_218, %lt3A_243 : vector<128x1xf32>
    %ge3A_245 = arith.constant 1.600000e+01 : f32
    %ge3A_246 = vector.broadcast %ge3A_245 : f32 to vector<128x1xf32>
    %ge3A_247 = arith.cmpf oge, %add3A_241, %ge3A_246 : vector<128x1xf32>
    %and3A_248 = arith.andi %lt3A_244, %ge3A_247 : vector<128x1xi1>
    %select_n3A_249 = arith.select %and3A_248, %broadcast_in_dim3A_233, %select_n3A_226 : vector<128x1xi1>, vector<128x1xf32>
    %select_n3A_250 = arith.select %and3A_248, %add3A_218, %select_n3A_227 : vector<128x1xi1>, vector<128x1xf32>
    %jit3A_251 = arith.constant 0xFF800000 : f32
    %broadcast_in_dim3A_252 = vector.broadcast %jit3A_251 : f32 to vector<128x2048xf32>
    %select_n3A_253 = arith.select %eq3A_235, %broadcast_in_dim3A_252, %select_n3A_230 : vector<128x2048xi1>, vector<128x2048xf32>
    %reduce_max3A_254 = arith.constant dense<0xFF800000> : vector<128xf32>
    %reduce_max3A_255 = vector.multi_reduction <maximumf>, %select_n3A_253, %reduce_max3A_254 [1] : vector<128x2048xf32> to vector<128xf32>
    %broadcast_in_dim3A_256 = vector.shape_cast %reduce_max3A_255 : vector<128xf32> to vector<128x1xf32>
    %eq3A_257 = vector.broadcast %broadcast_in_dim3A_256 : vector<128x1xf32> to vector<128x2048xf32>
    %eq3A_258 = arith.cmpf oeq, %select_n3A_253, %eq3A_257 : vector<128x2048xf32>
    %convert_element_type3A_259 = arith.extui %eq3A_258 : vector<128x2048xi1> to vector<128x2048xi32>
    %convert_element_type3A_260 = arith.sitofp %convert_element_type3A_259 : vector<128x2048xi32> to vector<128x2048xf32>
    %reduce_sum3A_261 = arith.constant dense<0.000000e+00> : vector<128xf32>
    %reduce_sum3A_262 = vector.multi_reduction <add>, %convert_element_type3A_260, %reduce_sum3A_261 [1] : vector<128x2048xf32> to vector<128xf32>
    %broadcast_in_dim3A_263 = vector.shape_cast %reduce_sum3A_262 : vector<128xf32> to vector<128x1xf32>
    %add3A_264 = arith.addf %add3A_241, %broadcast_in_dim3A_263 : vector<128x1xf32>
    %lt3A_265 = arith.constant 1.600000e+01 : f32
    %lt3A_266 = vector.broadcast %lt3A_265 : f32 to vector<128x1xf32>
    %lt3A_267 = arith.cmpf olt, %add3A_241, %lt3A_266 : vector<128x1xf32>
    %ge3A_268 = arith.constant 1.600000e+01 : f32
    %ge3A_269 = vector.broadcast %ge3A_268 : f32 to vector<128x1xf32>
    %ge3A_270 = arith.cmpf oge, %add3A_264, %ge3A_269 : vector<128x1xf32>
    %and3A_271 = arith.andi %lt3A_267, %ge3A_270 : vector<128x1xi1>
    %select_n3A_272 = arith.select %and3A_271, %broadcast_in_dim3A_256, %select_n3A_249 : vector<128x1xi1>, vector<128x1xf32>
    %select_n3A_273 = arith.select %and3A_271, %add3A_241, %select_n3A_250 : vector<128x1xi1>, vector<128x1xf32>
    %jit3A_274 = arith.constant 0xFF800000 : f32
    %broadcast_in_dim3A_275 = vector.broadcast %jit3A_274 : f32 to vector<128x2048xf32>
    %select_n3A_276 = arith.select %eq3A_258, %broadcast_in_dim3A_275, %select_n3A_253 : vector<128x2048xi1>, vector<128x2048xf32>
    %reduce_max3A_277 = arith.constant dense<0xFF800000> : vector<128xf32>
    %reduce_max3A_278 = vector.multi_reduction <maximumf>, %select_n3A_276, %reduce_max3A_277 [1] : vector<128x2048xf32> to vector<128xf32>
    %broadcast_in_dim3A_279 = vector.shape_cast %reduce_max3A_278 : vector<128xf32> to vector<128x1xf32>
    %eq3A_280 = vector.broadcast %broadcast_in_dim3A_279 : vector<128x1xf32> to vector<128x2048xf32>
    %eq3A_281 = arith.cmpf oeq, %select_n3A_276, %eq3A_280 : vector<128x2048xf32>
    %convert_element_type3A_282 = arith.extui %eq3A_281 : vector<128x2048xi1> to vector<128x2048xi32>
    %convert_element_type3A_283 = arith.sitofp %convert_element_type3A_282 : vector<128x2048xi32> to vector<128x2048xf32>
    %reduce_sum3A_284 = arith.constant dense<0.000000e+00> : vector<128xf32>
    %reduce_sum3A_285 = vector.multi_reduction <add>, %convert_element_type3A_283, %reduce_sum3A_284 [1] : vector<128x2048xf32> to vector<128xf32>
    %broadcast_in_dim3A_286 = vector.shape_cast %reduce_sum3A_285 : vector<128xf32> to vector<128x1xf32>
    %add3A_287 = arith.addf %add3A_264, %broadcast_in_dim3A_286 : vector<128x1xf32>
    %lt3A_288 = arith.constant 1.600000e+01 : f32
    %lt3A_289 = vector.broadcast %lt3A_288 : f32 to vector<128x1xf32>
    %lt3A_290 = arith.cmpf olt, %add3A_264, %lt3A_289 : vector<128x1xf32>
    %ge3A_291 = arith.constant 1.600000e+01 : f32
    %ge3A_292 = vector.broadcast %ge3A_291 : f32 to vector<128x1xf32>
    %ge3A_293 = arith.cmpf oge, %add3A_287, %ge3A_292 : vector<128x1xf32>
    %and3A_294 = arith.andi %lt3A_290, %ge3A_293 : vector<128x1xi1>
    %select_n3A_295 = arith.select %and3A_294, %broadcast_in_dim3A_279, %select_n3A_272 : vector<128x1xi1>, vector<128x1xf32>
    %select_n3A_296 = arith.select %and3A_294, %add3A_264, %select_n3A_273 : vector<128x1xi1>, vector<128x1xf32>
    %jit3A_297 = arith.constant 0xFF800000 : f32
    %broadcast_in_dim3A_298 = vector.broadcast %jit3A_297 : f32 to vector<128x2048xf32>
    %select_n3A_299 = arith.select %eq3A_281, %broadcast_in_dim3A_298, %select_n3A_276 : vector<128x2048xi1>, vector<128x2048xf32>
    %reduce_max3A_300 = arith.constant dense<0xFF800000> : vector<128xf32>
    %reduce_max3A_301 = vector.multi_reduction <maximumf>, %select_n3A_299, %reduce_max3A_300 [1] : vector<128x2048xf32> to vector<128xf32>
    %broadcast_in_dim3A_302 = vector.shape_cast %reduce_max3A_301 : vector<128xf32> to vector<128x1xf32>
    %eq3A_303 = vector.broadcast %broadcast_in_dim3A_302 : vector<128x1xf32> to vector<128x2048xf32>
    %eq3A_304 = arith.cmpf oeq, %select_n3A_299, %eq3A_303 : vector<128x2048xf32>
    %convert_element_type3A_305 = arith.extui %eq3A_304 : vector<128x2048xi1> to vector<128x2048xi32>
    %convert_element_type3A_306 = arith.sitofp %convert_element_type3A_305 : vector<128x2048xi32> to vector<128x2048xf32>
    %reduce_sum3A_307 = arith.constant dense<0.000000e+00> : vector<128xf32>
    %reduce_sum3A_308 = vector.multi_reduction <add>, %convert_element_type3A_306, %reduce_sum3A_307 [1] : vector<128x2048xf32> to vector<128xf32>
    %broadcast_in_dim3A_309 = vector.shape_cast %reduce_sum3A_308 : vector<128xf32> to vector<128x1xf32>
    %add3A_310 = arith.addf %add3A_287, %broadcast_in_dim3A_309 : vector<128x1xf32>
    %lt3A_311 = arith.constant 1.600000e+01 : f32
    %lt3A_312 = vector.broadcast %lt3A_311 : f32 to vector<128x1xf32>
    %lt3A_313 = arith.cmpf olt, %add3A_287, %lt3A_312 : vector<128x1xf32>
    %ge3A_314 = arith.constant 1.600000e+01 : f32
    %ge3A_315 = vector.broadcast %ge3A_314 : f32 to vector<128x1xf32>
    %ge3A_316 = arith.cmpf oge, %add3A_310, %ge3A_315 : vector<128x1xf32>
    %and3A_317 = arith.andi %lt3A_313, %ge3A_316 : vector<128x1xi1>
    %select_n3A_318 = arith.select %and3A_317, %broadcast_in_dim3A_302, %select_n3A_295 : vector<128x1xi1>, vector<128x1xf32>
    %select_n3A_319 = arith.select %and3A_317, %add3A_287, %select_n3A_296 : vector<128x1xi1>, vector<128x1xf32>
    %jit3A_320 = arith.constant 0xFF800000 : f32
    %broadcast_in_dim3A_321 = vector.broadcast %jit3A_320 : f32 to vector<128x2048xf32>
    %select_n3A_322 = arith.select %eq3A_304, %broadcast_in_dim3A_321, %select_n3A_299 : vector<128x2048xi1>, vector<128x2048xf32>
    %reduce_max3A_323 = arith.constant dense<0xFF800000> : vector<128xf32>
    %reduce_max3A_324 = vector.multi_reduction <maximumf>, %select_n3A_322, %reduce_max3A_323 [1] : vector<128x2048xf32> to vector<128xf32>
    %broadcast_in_dim3A_325 = vector.shape_cast %reduce_max3A_324 : vector<128xf32> to vector<128x1xf32>
    %eq3A_326 = vector.broadcast %broadcast_in_dim3A_325 : vector<128x1xf32> to vector<128x2048xf32>
    %eq3A_327 = arith.cmpf oeq, %select_n3A_322, %eq3A_326 : vector<128x2048xf32>
    %convert_element_type3A_328 = arith.extui %eq3A_327 : vector<128x2048xi1> to vector<128x2048xi32>
    %convert_element_type3A_329 = arith.sitofp %convert_element_type3A_328 : vector<128x2048xi32> to vector<128x2048xf32>
    %reduce_sum3A_330 = arith.constant dense<0.000000e+00> : vector<128xf32>
    %reduce_sum3A_331 = vector.multi_reduction <add>, %convert_element_type3A_329, %reduce_sum3A_330 [1] : vector<128x2048xf32> to vector<128xf32>
    %broadcast_in_dim3A_332 = vector.shape_cast %reduce_sum3A_331 : vector<128xf32> to vector<128x1xf32>
    %add3A_333 = arith.addf %add3A_310, %broadcast_in_dim3A_332 : vector<128x1xf32>
    %lt3A_334 = arith.constant 1.600000e+01 : f32
    %lt3A_335 = vector.broadcast %lt3A_334 : f32 to vector<128x1xf32>
    %lt3A_336 = arith.cmpf olt, %add3A_310, %lt3A_335 : vector<128x1xf32>
    %ge3A_337 = arith.constant 1.600000e+01 : f32
    %ge3A_338 = vector.broadcast %ge3A_337 : f32 to vector<128x1xf32>
    %ge3A_339 = arith.cmpf oge, %add3A_333, %ge3A_338 : vector<128x1xf32>
    %and3A_340 = arith.andi %lt3A_336, %ge3A_339 : vector<128x1xi1>
    %select_n3A_341 = arith.select %and3A_340, %broadcast_in_dim3A_325, %select_n3A_318 : vector<128x1xi1>, vector<128x1xf32>
    %select_n3A_342 = arith.select %and3A_340, %add3A_310, %select_n3A_319 : vector<128x1xi1>, vector<128x1xf32>
    %jit3A_343 = arith.constant 0xFF800000 : f32
    %broadcast_in_dim3A_344 = vector.broadcast %jit3A_343 : f32 to vector<128x2048xf32>
    %select_n3A_345 = arith.select %eq3A_327, %broadcast_in_dim3A_344, %select_n3A_322 : vector<128x2048xi1>, vector<128x2048xf32>
    %reduce_max3A_346 = arith.constant dense<0xFF800000> : vector<128xf32>
    %reduce_max3A_347 = vector.multi_reduction <maximumf>, %select_n3A_345, %reduce_max3A_346 [1] : vector<128x2048xf32> to vector<128xf32>
    %broadcast_in_dim3A_348 = vector.shape_cast %reduce_max3A_347 : vector<128xf32> to vector<128x1xf32>
    %eq3A_349 = vector.broadcast %broadcast_in_dim3A_348 : vector<128x1xf32> to vector<128x2048xf32>
    %eq3A_350 = arith.cmpf oeq, %select_n3A_345, %eq3A_349 : vector<128x2048xf32>
    %convert_element_type3A_351 = arith.extui %eq3A_350 : vector<128x2048xi1> to vector<128x2048xi32>
    %convert_element_type3A_352 = arith.sitofp %convert_element_type3A_351 : vector<128x2048xi32> to vector<128x2048xf32>
    %reduce_sum3A_353 = arith.constant dense<0.000000e+00> : vector<128xf32>
    %reduce_sum3A_354 = vector.multi_reduction <add>, %convert_element_type3A_352, %reduce_sum3A_353 [1] : vector<128x2048xf32> to vector<128xf32>
    %broadcast_in_dim3A_355 = vector.shape_cast %reduce_sum3A_354 : vector<128xf32> to vector<128x1xf32>
    %add3A_356 = arith.addf %add3A_333, %broadcast_in_dim3A_355 : vector<128x1xf32>
    %lt3A_357 = arith.constant 1.600000e+01 : f32
    %lt3A_358 = vector.broadcast %lt3A_357 : f32 to vector<128x1xf32>
    %lt3A_359 = arith.cmpf olt, %add3A_333, %lt3A_358 : vector<128x1xf32>
    %ge3A_360 = arith.constant 1.600000e+01 : f32
    %ge3A_361 = vector.broadcast %ge3A_360 : f32 to vector<128x1xf32>
    %ge3A_362 = arith.cmpf oge, %add3A_356, %ge3A_361 : vector<128x1xf32>
    %and3A_363 = arith.andi %lt3A_359, %ge3A_362 : vector<128x1xi1>
    %select_n3A_364 = arith.select %and3A_363, %broadcast_in_dim3A_348, %select_n3A_341 : vector<128x1xi1>, vector<128x1xf32>
    %select_n3A_365 = arith.select %and3A_363, %add3A_333, %select_n3A_342 : vector<128x1xi1>, vector<128x1xf32>
    %eq3A_366 = vector.broadcast %select_n3A_364 : vector<128x1xf32> to vector<128x2048xf32>
    %eq3A_367 = arith.cmpf oeq, %add3A, %eq3A_366 : vector<128x2048xf32>
    %convert_element_type3A_368 = arith.extui %eq3A_367 : vector<128x2048xi1> to vector<128x2048xi32>
    %convert_element_type3A_369 = arith.sitofp %convert_element_type3A_368 : vector<128x2048xi32> to vector<128x2048xf32>
    %broadcast_in_dim3A_370 = arith.constant 0.000000e+00 : f32
    %broadcast_in_dim3A_371 = vector.broadcast %broadcast_in_dim3A_370 : f32 to vector<128x1xf32>
    %slice3A = vector.extract_strided_slice %convert_element_type3A_369 {offsets = [0, 0], sizes = [128, 2047], strides = [1, 1]} : vector<128x2048xf32> to vector<128x2047xf32>
    %concatenate3A = tpu.concatenate %broadcast_in_dim3A_371, %slice3A in 1 : vector<128x1xf32>, vector<128x2047xf32> -> vector<128x2048xf32>
    %add3A_372 = arith.addf %convert_element_type3A_369, %concatenate3A : vector<128x2048xf32>
    %broadcast_in_dim3A_373 = arith.constant 0.000000e+00 : f32
    %broadcast_in_dim3A_374 = vector.broadcast %broadcast_in_dim3A_373 : f32 to vector<128x2xf32>
    %slice3A_375 = vector.extract_strided_slice %add3A_372 {offsets = [0, 0], sizes = [128, 2046], strides = [1, 1]} : vector<128x2048xf32> to vector<128x2046xf32>
    %concatenate3A_376 = tpu.concatenate %broadcast_in_dim3A_374, %slice3A_375 in 1 : vector<128x2xf32>, vector<128x2046xf32> -> vector<128x2048xf32>
    %add3A_377 = arith.addf %add3A_372, %concatenate3A_376 : vector<128x2048xf32>
    %broadcast_in_dim3A_378 = arith.constant 0.000000e+00 : f32
    %broadcast_in_dim3A_379 = vector.broadcast %broadcast_in_dim3A_378 : f32 to vector<128x4xf32>
    %slice3A_380 = vector.extract_strided_slice %add3A_377 {offsets = [0, 0], sizes = [128, 2044], strides = [1, 1]} : vector<128x2048xf32> to vector<128x2044xf32>
    %concatenate3A_381 = tpu.concatenate %broadcast_in_dim3A_379, %slice3A_380 in 1 : vector<128x4xf32>, vector<128x2044xf32> -> vector<128x2048xf32>
    %add3A_382 = arith.addf %add3A_377, %concatenate3A_381 : vector<128x2048xf32>
    %broadcast_in_dim3A_383 = arith.constant 0.000000e+00 : f32
    %broadcast_in_dim3A_384 = vector.broadcast %broadcast_in_dim3A_383 : f32 to vector<128x8xf32>
    %slice3A_385 = vector.extract_strided_slice %add3A_382 {offsets = [0, 0], sizes = [128, 2040], strides = [1, 1]} : vector<128x2048xf32> to vector<128x2040xf32>
    %concatenate3A_386 = tpu.concatenate %broadcast_in_dim3A_384, %slice3A_385 in 1 : vector<128x8xf32>, vector<128x2040xf32> -> vector<128x2048xf32>
    %add3A_387 = arith.addf %add3A_382, %concatenate3A_386 : vector<128x2048xf32>
    %broadcast_in_dim3A_388 = arith.constant 0.000000e+00 : f32
    %broadcast_in_dim3A_389 = vector.broadcast %broadcast_in_dim3A_388 : f32 to vector<128x16xf32>
    %slice3A_390 = vector.extract_strided_slice %add3A_387 {offsets = [0, 0], sizes = [128, 2032], strides = [1, 1]} : vector<128x2048xf32> to vector<128x2032xf32>
    %concatenate3A_391 = tpu.concatenate %broadcast_in_dim3A_389, %slice3A_390 in 1 : vector<128x16xf32>, vector<128x2032xf32> -> vector<128x2048xf32>
    %add3A_392 = arith.addf %add3A_387, %concatenate3A_391 : vector<128x2048xf32>
    %broadcast_in_dim3A_393 = arith.constant 0.000000e+00 : f32
    %broadcast_in_dim3A_394 = vector.broadcast %broadcast_in_dim3A_393 : f32 to vector<128x32xf32>
    %slice3A_395 = vector.extract_strided_slice %add3A_392 {offsets = [0, 0], sizes = [128, 2016], strides = [1, 1]} : vector<128x2048xf32> to vector<128x2016xf32>
    %concatenate3A_396 = tpu.concatenate %broadcast_in_dim3A_394, %slice3A_395 in 1 : vector<128x32xf32>, vector<128x2016xf32> -> vector<128x2048xf32>
    %add3A_397 = arith.addf %add3A_392, %concatenate3A_396 : vector<128x2048xf32>
    %broadcast_in_dim3A_398 = arith.constant 0.000000e+00 : f32
    %broadcast_in_dim3A_399 = vector.broadcast %broadcast_in_dim3A_398 : f32 to vector<128x64xf32>
    %slice3A_400 = vector.extract_strided_slice %add3A_397 {offsets = [0, 0], sizes = [128, 1984], strides = [1, 1]} : vector<128x2048xf32> to vector<128x1984xf32>
    %concatenate3A_401 = tpu.concatenate %broadcast_in_dim3A_399, %slice3A_400 in 1 : vector<128x64xf32>, vector<128x1984xf32> -> vector<128x2048xf32>
    %add3A_402 = arith.addf %add3A_397, %concatenate3A_401 : vector<128x2048xf32>
    %broadcast_in_dim3A_403 = arith.constant 0.000000e+00 : f32
    %broadcast_in_dim3A_404 = vector.broadcast %broadcast_in_dim3A_403 : f32 to vector<128x128xf32>
    %slice3A_405 = vector.extract_strided_slice %add3A_402 {offsets = [0, 0], sizes = [128, 1920], strides = [1, 1]} : vector<128x2048xf32> to vector<128x1920xf32>
    %concatenate3A_406 = tpu.concatenate %broadcast_in_dim3A_404, %slice3A_405 in 1 : vector<128x128xf32>, vector<128x1920xf32> -> vector<128x2048xf32>
    %add3A_407 = arith.addf %add3A_402, %concatenate3A_406 : vector<128x2048xf32>
    %broadcast_in_dim3A_408 = arith.constant 0.000000e+00 : f32
    %broadcast_in_dim3A_409 = vector.broadcast %broadcast_in_dim3A_408 : f32 to vector<128x256xf32>
    %slice3A_410 = vector.extract_strided_slice %add3A_407 {offsets = [0, 0], sizes = [128, 1792], strides = [1, 1]} : vector<128x2048xf32> to vector<128x1792xf32>
    %concatenate3A_411 = tpu.concatenate %broadcast_in_dim3A_409, %slice3A_410 in 1 : vector<128x256xf32>, vector<128x1792xf32> -> vector<128x2048xf32>
    %add3A_412 = arith.addf %add3A_407, %concatenate3A_411 : vector<128x2048xf32>
    %broadcast_in_dim3A_413 = arith.constant 0.000000e+00 : f32
    %broadcast_in_dim3A_414 = vector.broadcast %broadcast_in_dim3A_413 : f32 to vector<128x512xf32>
    %slice3A_415 = vector.extract_strided_slice %add3A_412 {offsets = [0, 0], sizes = [128, 1536], strides = [1, 1]} : vector<128x2048xf32> to vector<128x1536xf32>
    %concatenate3A_416 = tpu.concatenate %broadcast_in_dim3A_414, %slice3A_415 in 1 : vector<128x512xf32>, vector<128x1536xf32> -> vector<128x2048xf32>
    %add3A_417 = arith.addf %add3A_412, %concatenate3A_416 : vector<128x2048xf32>
    %broadcast_in_dim3A_418 = arith.constant 0.000000e+00 : f32
    %broadcast_in_dim3A_419 = vector.broadcast %broadcast_in_dim3A_418 : f32 to vector<128x1024xf32>
    %slice3A_420 = vector.extract_strided_slice %add3A_417 {offsets = [0, 0], sizes = [128, 1024], strides = [1, 1]} : vector<128x2048xf32> to vector<128x1024xf32>
    %concatenate3A_421 = tpu.concatenate %broadcast_in_dim3A_419, %slice3A_420 in 1 : vector<128x1024xf32>, vector<128x1024xf32> -> vector<128x2048xf32>
    %add3A_422 = arith.addf %add3A_417, %concatenate3A_421 : vector<128x2048xf32>
    %gt3A = vector.broadcast %select_n3A_364 : vector<128x1xf32> to vector<128x2048xf32>
    %gt3A_423 = arith.cmpf ogt, %add3A, %gt3A : vector<128x2048xf32>
    %add3A_424 = vector.broadcast %select_n3A_365 : vector<128x1xf32> to vector<128x2048xf32>
    %add3A_425 = arith.addf %add3A_422, %add3A_424 : vector<128x2048xf32>
    %le3A = arith.constant 1.600000e+01 : f32
    %le3A_426 = vector.broadcast %le3A : f32 to vector<128x2048xf32>
    %le3A_427 = arith.cmpf ole, %add3A_425, %le3A_426 : vector<128x2048xf32>
    %and3A_428 = arith.andi %eq3A_367, %le3A_427 : vector<128x2048xi1>
    %or3A = arith.ori %gt3A_423, %and3A_428 : vector<128x2048xi1>
    %get3A_429 = arith.constant 0 : index
    %get3A_430 = arith.constant 0 : index
    %get3A_431 = vector.load %arg3[%get3A_429, %get3A_430] : memref<128x2048xf32, #tpu.memory_space<vmem>>, vector<128x2048xf32>
    %sign3A = tpu.bitcast %get3A_431 : vector<128x2048xf32> -> vector<128x2048xi32>
    %sign3A_432 = arith.constant -2147483648 : i32
    %sign3A_433 = vector.broadcast %sign3A_432 : i32 to vector<128x2048xi32>
    %sign3A_434 = arith.andi %sign3A, %sign3A_433 : vector<128x2048xi32>
    %sign3A_435 = arith.constant 1065353216 : i32
    %sign3A_436 = vector.broadcast %sign3A_435 : i32 to vector<128x2048xi32>
    %sign3A_437 = arith.ori %sign3A_436, %sign3A_434 : vector<128x2048xi32>
    %sign3A_438 = tpu.bitcast %sign3A_437 : vector<128x2048xi32> -> vector<128x2048xf32>
    %sign3A_439 = math.absf %get3A_431 : vector<128x2048xf32>
    %sign3A_440 = arith.constant 0.000000e+00 : f32
    %sign3A_441 = vector.broadcast %sign3A_440 : f32 to vector<128x2048xf32>
    %sign3A_442 = arith.cmpf ogt, %sign3A_439, %sign3A_441 : vector<128x2048xf32>
    %sign3A_443 = arith.select %sign3A_442, %sign3A_438, %get3A_431 : vector<128x2048xi1>, vector<128x2048xf32>
    %jit3A_444 = arith.constant 0.000000e+00 : f32
    %broadcast_in_dim3A_445 = vector.broadcast %jit3A_444 : f32 to vector<128x2048xf32>
    %select_n3A_446 = arith.select %or3A, %sign3A_443, %broadcast_in_dim3A_445 : vector<128x2048xi1>, vector<128x2048xf32>
    %swap3A = arith.constant 0 : index
    %swap3A_447 = arith.constant 0 : index
    %swap3A_448 = vector.load %arg4[%swap3A, %swap3A_447] : memref<128x2048xf32, #tpu.memory_space<vmem>>, vector<128x2048xf32>
    tpu.vector_store %arg4[%swap3A, %swap3A_447], %select_n3A_446 {strides = array<i32>} : memref<128x2048xf32, #tpu.memory_space<vmem>>, vector<128x2048xf32>,
    return
  }
  func.func @transform_0(%arg0: i32) -> (i32, i32) {
    %add3A = arith.constant 2 : i32
    %add3A_0 = arith.addi %arg0, %add3A : i32
    %c0_i32 = arith.constant 0 : i32
    %c0_i32_1 = arith.constant 0 : i32
    return %add3A_0, %c0_i32 : i32, i32
  }
  func.func @transform_1(%arg0: i32) -> (i32, i32) {
    %add3A = arith.constant 2 : i32
    %add3A_0 = arith.addi %arg0, %add3A : i32
    %c0_i32 = arith.constant 0 : i32
    %c0_i32_1 = arith.constant 0 : i32
    return %add3A_0, %c0_i32 : i32, i32
  }
  func.func @transform_2(%arg0: i32) -> (i32, i32) {
    %add3A = arith.constant 2 : i32
    %add3A_0 = arith.addi %arg0, %add3A : i32
    %c0_i32 = arith.constant 0 : i32
    %c0_i32_1 = arith.constant 0 : i32
    return %add3A_0, %c0_i32 : i32, i32
  }
  func.func @transform_3(%arg0: i32) -> (i32, i32) {
    %c0_i32 = arith.constant 0 : i32
    %c0_i32_0 = arith.constant 0 : i32
    return %arg0, %c0_i32 : i32, i32
  }
}

</mosaic_0001>

<sc_bundles>
// kernel: kernel.5.cloned.1.call-start
scs
__scs_entry_jumppad:
0x0: {  	(pc) =	sbr.rel $0x88, $3  }
0x1: {  	(tag) =	ssettag $0x0;
	lr =	simm.s32 $0x1  }
0x2: {  	[smem:$0x3F9E] =	sst lr;
	_ =	strace $0xD0000000  }
0x3: {  	_ = 	snop  }
0x4: {  	_ = 	snop  }
0x5: {  	_ = 	snop  }
0x6: {  	_ = 	snop  }
0x7: {  	_ = 	snop  }
__scs_overlays_trampoline_lowered:
0x8: {  	[smem:$0x3FAD] =	sst s0  }
0x9: {  	[smem:$0x3FAE] =	sst s1  }
0xa: {  	[smem:$0x3FAF] =	sst s2  }
0xb: {  	[smem:$0x3FB0] =	sst s3  }
0xc: {  	[smem:$0x3FB1] =	sst s4  }
0xd: {  	[smem:$0x3FB2] =	sst s5  }
0xe: {  	[smem:$0x3FB3] =	sst s6  }
0xf: {  	[smem:$0x3FB4] =	sst s7  }
0x10: {  	[smem:$0x3FB5] =	sst s8  }
0x11: {  	[smem:$0x3FB6] =	sst s9;
	s0 =	simm.s32 @!p0 $0x0  }
0x12: {  	s1 =	sld [smem:$0x3F9C];
	s0 =	simm.s32 @p0 $0x1  }
0x13: {  	[smem:$0x3FB7] =	sst s0;
	s0 =	simm.s32 @!p1 $0x0  }
0x14: {  	s2 =	sld [smem:$0x3F9B];
	s0 =	simm.s32 @p1 $0x1  }
0x15: {  	[smem:$0x3FB8] =	sst s0;
	s0 =	simm.s32 @!p2 $0x0  }
0x16: {  	s3 =	sld [smem:$0x3FDB];
	s0 =	simm.s32 @p2 $0x1  }
0x17: {  	s4 =	simm.s32 $0x1BF5;
	[smem:$0x3FBA] =	sst s0  }
0x18: {  	s0 =	sld [smem:$0x3F9D];
	_ =	swait.ge [sflag:s4], $0x0  }
0x19: {  	s7 =	sld [smem:$0x3F9E]  }
0x1a: {  	s8 =	sadd.s32 $0xFFFFE003, lr  }
0x1b: {  	s9 =	sadd.s32 $0xFFFFFEF7, lr;
	s5 =	simm.s32 $0xFFFFFFFF;
	p2 =	slt.u32 s8, $0xFFFFF086  }
0x1c: {  	p1 =	slt.u32 s9, $0xF7A;
	s5 =	simm.s32 @!p2 $0x0  }
0x1d: {  	s5 =	simm.s32 @p1 $0x1;
	p0 =	seq.s32 s7, s2  }
0x1e: {  	s7 =	smul.u32 @!p0 $0xF7A, s2;
	p2 =	seq.s32 @!p0 s5, $0x0  }
0x1f: {  	s9 =	smul.u32 $0xF7A, s1;
	s8 =	simm.s32 @!p0 $0x1BF5;
	p2 =	por !p2, p0  }
0x20: {  	[sflag:s8] =	ssyncset.s32 @!p0 $0xFFFFF086;
	s6 =	sadd.s32 @!p0 s3, s7;
	s7 =	simm.s32 @!p0 $0x108  }
0x21: {  	s3 =	sadd.s32 s3, s9;
	s6 =	sadd.s32 @!p0 $0x88, s6;
	s7 =	simm.s32 @p2 $0x1082  }
0x22: {  	[simem:s7], [sflag:s8] =	dma.local @!p0 [hbm:s6], $0xF7A  }
0x23: {  	s9 =	sor.u32 $0xD0000000, s2;
	s6 =	simm.s32 $0x108;
	_ =	swait.ge @!p0 [sflag:s8], $0x0  }
0x24: {  	s3 =	sadd.s32 $0x88, s3;
	s6 =	simm.s32 @!p1 $0x1082;
	[sflag:s4] =	ssyncset.s32 $0xFFFFF086  }
0x25: {  	[simem:s6], [sflag:s4] =	dma.local [hbm:s3], $0xF7A  }
0x26: {  	[smem:$0x3F9E] =	sst s1;
	(tag) =	ssettag s2;
	_ =	strace s9  }
0x27: {  	s1 =	sld [smem:$0x3FAE]  }
0x28: {  	s2 =	sld [smem:$0x3FAF]  }
0x29: {  	s4 =	sld [smem:$0x3FB1]  }
0x2a: {  	p0 =	seq.s32 s5, $0x0;
	s5 =	sld [smem:$0x3FB2]  }
0x2b: {  	s6 =	sld [smem:$0x3FB3]  }
0x2c: {  	s7 =	sld [smem:$0x3FB4]  }
0x2d: {  	s3 =	simm.s32 $0x108;
	s8 =	sld [smem:$0x3FB5]  }
0x2e: {  	s3 =	simm.s32 @!p0 $0x1082;
	s9 =	sld [smem:$0x3FB6]  }
0x2f: {  	lr =	sadd.s32 s0, s3;
	s0 =	sld [smem:$0x3FAD]  }
0x30: {  	s3 =	sld [smem:$0x3FB0]  }
0x31: {  	[smem:$0x3FB9] =	sst s10  }
0x32: {  	s10 =	sld [smem:$0x3FB7];
	_ =	sdelay $0x3  }
0x33: {  	p0 =	seq.s32 s10, $0x1;
	s10 =	sld [smem:$0x3FB9];
	_ =	sdelay $0x3  }
0x34: {  	[smem:$0x3FB9] =	sst s10  }
0x35: {  	s10 =	sld [smem:$0x3FB8];
	_ =	sdelay $0x3  }
0x36: {  	p1 =	seq.s32 s10, $0x1;
	s10 =	sld [smem:$0x3FB9];
	_ =	sdelay $0x3  }
0x37: {  	[smem:$0x3FB9] =	sst s10  }
0x38: {  	s10 =	sld [smem:$0x3FBA]  }
0x39: {  	_ = 	snop;
	(pc) =	sbr.ind lr, $3  }
0x3a: {  	_ = 	snop  }
0x3b: {  	_ = 	snop  }
0x3c: {  	p2 =	seq.s32 s10, $0x1;
	s10 =	sld [smem:$0x3FB9]  }
0x3d: {  	_ =	shalt  }
0x3e: {  	_ =	shalt  }
0x3f: {  	_ =	shalt  }
0x40: {  	_ =	shalt  }
0x41: {  	_ =	shalt  }
0x42: {  	_ =	shalt  }
0x43: {  	_ =	shalt  }
0x44: {  	_ =	shalt  }
0x45: {  	_ =	shalt  }
0x46: {  	_ =	shalt  }
0x47: {  	_ =	shalt  }
0x48: {  	_ =	shalt  }
0x49: {  	_ =	shalt  }
0x4a: {  	_ =	shalt  }
0x4b: {  	_ =	shalt  }
0x4c: {  	_ =	shalt  }
0x4d: {  	_ =	shalt  }
0x4e: {  	_ =	shalt  }
0x4f: {  	_ =	shalt  }
0x50: {  	_ =	shalt  }
0x51: {  	_ =	shalt  }
0x52: {  	_ =	shalt  }
0x53: {  	_ =	shalt  }
0x54: {  	_ =	shalt  }
0x55: {  	_ =	shalt  }
0x56: {  	_ =	shalt  }
0x57: {  	_ =	shalt  }
0x58: {  	_ =	shalt  }
0x59: {  	_ =	shalt  }
0x5a: {  	_ =	shalt  }
0x5b: {  	_ =	shalt  }
0x5c: {  	_ =	shalt  }
0x5d: {  	_ =	shalt  }
0x5e: {  	_ =	shalt  }
0x5f: {  	_ =	shalt  }
0x60: {  	_ =	shalt  }
0x61: {  	_ =	shalt  }
0x62: {  	_ =	shalt  }
0x63: {  	_ =	shalt  }
0x64: {  	_ =	shalt  }
0x65: {  	_ =	shalt  }
0x66: {  	_ =	shalt  }
0x67: {  	_ =	shalt  }
0x68: {  	_ =	shalt  }
0x69: {  	_ =	shalt  }
0x6a: {  	_ =	shalt  }
0x6b: {  	_ =	shalt  }
0x6c: {  	_ =	shalt  }
0x6d: {  	_ =	shalt  }
0x6e: {  	_ =	shalt  }
0x6f: {  	_ =	shalt  }
0x70: {  	_ =	shalt  }
0x71: {  	_ =	shalt  }
0x72: {  	_ =	shalt  }
0x73: {  	_ =	shalt  }
0x74: {  	_ =	shalt  }
0x75: {  	_ =	shalt  }
0x76: {  	_ =	shalt  }
0x77: {  	_ =	shalt  }
0x78: {  	_ =	shalt  }
0x79: {  	_ =	shalt  }
0x7a: {  	_ =	shalt  }
0x7b: {  	_ =	shalt  }
0x7c: {  	_ =	shalt  }
0x7d: {  	_ =	shalt  }
0x7e: {  	_ =	shalt  }
0x7f: {  	_ =	shalt  }
0x80: {  	_ =	shalt  }
0x81: {  	_ =	shalt  }
0x82: {  	_ =	shalt  }
0x83: {  	_ =	shalt  }
0x84: {  	_ =	shalt  }
0x85: {  	_ =	shalt  }
0x86: {  	_ =	shalt  }
0x87: {  	_ =	shalt  }
.Lfunc_end0:
.L_simem_size_0:
called_computation_lowered:
.L_overlay_start_0:
0x88: {  	s2 =	sld [smem:$0x3FD9]  }
0x89: {  	s3 =	sld [smem:$0x3FFE];
	_ =	sdelay $0x1  }
0x8a: {  	s1 =	srdreg.scid  }
0x8b: {  	s0 =	sand.u32 $0x1, s1  }
0x8c: {  	s17 =	sshll.u32 s0, $0xA;
	s2 =	sadd.s32 s3, s2  }
0x8d: {  	s2 =	sadd.s32 s2, s17  }
0x8e: {  	[smem:$0x3FC5] =	sst s2  }
0x8f: {  	_ = 	snop  }
0x90: {  	s2 =	sld [smem:$0x3FC8]  }
0x91: {  	s18 =	sld [smem:$0x3FC7]  }
0x92: {  	s4 =	sld [smem:$0x3FD0];
	(tm) =	ssettm $0x1  }
0x93: {  	s5 =	sld [smem:$0x3FFB];
	_ =	sdelay $0x3  }
0x94: {  	_ =	strace s5  }
0x95: {  	s5 =	sld [smem:$0x3FFC];
	_ =	sdelay $0x3  }
0x96: {  	_ =	strace s5  }
0x97: {  	s5 =	sld [smem:$0x3FFD];
	_ =	sdelay $0x3  }
0x98: {  	_ =	strace s5  }
0x99: {  	_ =	strace $0x8FFFFFFF  }
0x9a: {  	s19 =	sld [smem:$0x3FDB];
	_ =	sdelay $0x1  }
0x9b: {  	s6 =	simm.s32 $_scs_section_size  }
0x9c: {  	s7 =	simm.s32 $_size__tile_overlayer_lowered;
	s8 =	simm.s32 $_tile_overlayer_lowered  }
0x9d: {  	s22 =	simm.s32 $0x1BFF;
	s21 =	sshll.u32 s8, $0x1;
	s5 =	sadd.s32 s6, s19  }
0x9e: {  	s9 =	simm.s32 $0x0;
	s20 =	sshll.u32 s7, $0x1;
	s7 =	sadd.s32 s21, s5  }
0x9f: {  	[timem:s9], [sflag:s22] =	dma.local [hbm:s7], s20  }
0xa0: {  	_ =	swait.ge [sflag:s22], s20  }
0xa1: {  	s6 =	ssub.s32 $0x0, s20;
	[sflag:s22] =	ssyncset.done $0x0  }
0xa2: {  	[sflag:s22] =	ssyncadd.s32 s6;
	_ =	sdelay $0x1  }
0xa3: {  	s23 =	simm.s32 $0x1B8B  }
0xa4: {  	_ =	swait.ge [sflag:s23], $0x1  }
0xa5: {  	[sflag:s23] =	ssyncset.done $0x0  }
0xa6: {  	s25 =	simm.s32 $0x1B8E;
	s24 =	sld [smem:$0x3FFE];
	[sflag:s23] =	ssyncadd.s32 $0xFFFFFFFF  }
0xa7: {  	s26 =	simm.s32 $execute0_lowered;
	[smem:$0x3FD2] =	sst s25  }
0xa8: {  	s7 =	sshll.u32 s26, $0x1;
	_ =	strace $0x80000046;
	[dreg:$0x1] =	wrdreg $0xFFFFFFFF  }
0xa9: {  	s28 =	simm.s32 $_size_execute0_lowered;
	s5 =	sadd.s32 s5, s7;
	[dreg:$0x0] =	wrdreg $0x0  }
0xaa: {  	s7 =	sshll.u32 s28, $0x1;
	[dreg:$0x2] =	wrdreg s5  }
0xab: {  	[dreg:$0x3] =	wrdreg s7  }
0xac: {  	[dreg:$0x4] =	wrdreg $0xC0  }
0xad: {  	_ =	task [dreg:s9], $0x5FFFF  }
0xae: {  	[dreg:$0x1] =	wrdreg $0xFFFFFFFF  }
0xaf: {  	[dreg:$0x0] =	wrdreg $0x60  }
0xb0: {  	[dreg:$0x2] =	wrdreg s18  }
0xb1: {  	[dreg:$0x3] =	wrdreg s4  }
0xb2: {  	[dreg:$0x4] =	wrdreg s2  }
0xb3: {  	[dreg:$0x5] =	wrdreg s24  }
0xb4: {  	[dreg:$0x6] =	wrdreg $0x9  }
0xb5: {  	_ =	task.clear_ibuf [dreg:s9], $0x7FFFF;
	_ =	strace $0x90000046  }
0xb6: {  	s29 =	simm.s32 $0x9;
	_ =	strace $0x80000048  }
0xb7: {  	_ =	swait.ge [sflag:s29], $0x1  }
0xb8: {  	[sflag:s29] =	ssyncadd.s32 $0xFFFFFFFF  }
0xb9: {  	_ =	strace $0x90000048  }
0xba: {  	_ =	sfence  }
0xbb: {  	s30 =	sld [smem:$0x0];
	_ =	sdelay $0x2  }
0xbc: {  	s31 =	sshll.u32 s1, $0xD;
	s1 =	sshrl.u32 s1, $0x2  }
0xbd: {  	s3 =	sand.u32 $0x4000, s31;
	s1 =	sadd.s32 s1, s30  }
0xbe: {  	s0 =	sor.u32 s3, s0;
	s1 =	sshll.u32 s1, $0x11  }
0xbf: {  	s0 =	sor.u32 s1, s0  }
0xc0: {  	s0 =	sadd.s32 $0x8F2B, s0  }
0xc1: {  	[sflag:s0] =	ssyncadd.remote.s32 $0x1  }
0xc2: {  	_ =	sfence.sel $0xFFFF  }
0xc3: {  	[dreg:$0x0] =	wrdreg $0xFFFFFFFF;
	(pc) =	sbr.abs _section_cstart, $3  }
0xc4: {  	[dreg:$0x1] =	wrdreg $0xFFFFFFFF  }
0xc5: {  	_ =	task.clear_ibuf [dreg:s9], $0x2FFFF;
	_ =	strace $0x9FFFFFFF  }
0xc6: {  	(tm) =	ssettm $0x7FFFFFFF  }
0xc7: {  	_ =	shalt  }
tec
execute0_lowered:
.L_overlay_start_1:
0x0: {  	(tag) =	ssettag $0x1  }
0x1: {  	s1 =	rddreg [dreg:$0x0]  }
0x2: {  	s2 =	rddreg [dreg:$0x1];
	s3 =	srdreg.scid  }
0x3: {  	s4 =	rddreg [dreg:$0x2];
	s6 =	stileid.u32;
	s3 =	sand.u32 $0x1, s3  }
0x4: {  	s6 =	sshll.u32 s6, $0x4;
	s7 =	sshll.u32 s3, $0x3;
	s3 =	ssub.s32 $0x2, s3  }
0x5: {  	s0 =	rddreg [dreg:$0x3];
	s6 =	sor.u32 s7, s6;
	s24 =	sshrl.u32 s3, $0x1  }
0x6: {  	s5 =	simm.s32 $0x0;
	s9 =	sshll.u32 s6, $0x8;
	s3 =	ssub.s32 s3, s24  }
0x7: {  	[smem:$0x7FF] =	sst s5;
	s7 =	sadd.s32 s1, s9;
	s25 =	smax.u32 s3, $0x1  }
0x8: {  	_ =	strace $0x80000047;
	[dreg:$0x5] =	wrdreg s25;
	s26 =	sadd.s32 $0x80, s7  }
0x9: {  	s28 =	sadd.s32 $0x100, s7;
	[dreg:$0x6] =	wrdreg s26  }
0xa: {  	s3 =	sadd.s32 $0x180, s7;
	[dreg:$0x7] =	wrdreg s28  }
0xb: {  	s11 =	sadd.s32 $0x200, s7;
	[dreg:$0x8] =	wrdreg s3  }
0xc: {  	s12 =	sadd.s32 $0x280, s7;
	[dreg:$0x9] =	wrdreg s11  }
0xd: {  	s13 =	sadd.s32 $0x300, s7;
	[dreg:$0xa] =	wrdreg s12  }
0xe: {  	s14 =	sadd.s32 $0x380, s7;
	[dreg:$0xb] =	wrdreg s13  }
0xf: {  	s15 =	sadd.s32 $0x400, s7;
	[dreg:$0xc] =	wrdreg s14  }
0x10: {  	s16 =	sadd.s32 $0x480, s7;
	[dreg:$0xd] =	wrdreg s15  }
0x11: {  	s17 =	sadd.s32 $0x500, s7;
	[dreg:$0xe] =	wrdreg s16  }
0x12: {  	s18 =	sadd.s32 $0x580, s7;
	[dreg:$0xf] =	wrdreg s17  }
0x13: {  	s19 =	sadd.s32 $0x600, s7;
	[dreg:$0x10] =	wrdreg s18  }
0x14: {  	s20 =	sadd.s32 $0x680, s7;
	[dreg:$0x11] =	wrdreg s19  }
0x15: {  	s21 =	sadd.s32 $0x700, s7;
	[dreg:$0x12] =	wrdreg s20  }
0x16: {  	s8 =	sadd.s32 s2, s9;
	s22 =	sadd.s32 $0x780, s7;
	[dreg:$0x13] =	wrdreg s21  }
0x17: {  	s23 =	sadd.s32 $0x80, s8;
	[dreg:$0x14] =	wrdreg s22  }
0x18: {  	s24 =	sadd.s32 $0x100, s8;
	[dreg:$0x15] =	wrdreg s23  }
0x19: {  	s25 =	sadd.s32 $0x180, s8;
	[dreg:$0x16] =	wrdreg s24  }
0x1a: {  	[dreg:$0x17] =	wrdreg s25;
	s26 =	sadd.s32 $0x200, s8  }
0x1b: {  	s28 =	sadd.s32 $0x280, s8;
	[dreg:$0x18] =	wrdreg s26  }
0x1c: {  	s3 =	sadd.s32 $0x300, s8;
	[dreg:$0x19] =	wrdreg s28  }
0x1d: {  	s11 =	sadd.s32 $0x380, s8;
	[dreg:$0x1a] =	wrdreg s3  }
0x1e: {  	s12 =	sadd.s32 $0x400, s8;
	[dreg:$0x1b] =	wrdreg s11  }
0x1f: {  	s13 =	sadd.s32 $0x480, s8;
	[dreg:$0x1c] =	wrdreg s12  }
0x20: {  	s14 =	sadd.s32 $0x500, s8;
	[dreg:$0x1d] =	wrdreg s13  }
0x21: {  	s15 =	sadd.s32 $0x580, s8;
	[dreg:$0x1e] =	wrdreg s14  }
0x22: {  	s16 =	sadd.s32 $0x600, s8;
	[dreg:$0x1f] =	wrdreg s15  }
0x23: {  	s17 =	sadd.s32 $0x680, s8;
	[smem:$0x7F2] =	sst s16  }
0x24: {  	s0 =	sadd.s32 s9, s0;
	s18 =	sadd.s32 $0x700, s8;
	[smem:$0x7F3] =	sst s17  }
0x25: {  	s9 =	sadd.s32 s4, s9;
	s19 =	sadd.s32 $0x780, s8;
	[smem:$0x7F4] =	sst s18  }
0x26: {  	s20 =	sadd.s32 $0x80, s9;
	[smem:$0x7F5] =	sst s19  }
0x27: {  	s21 =	sadd.s32 $0x100, s9;
	[smem:$0x7F6] =	sst s20  }
0x28: {  	s10 =	sadd.s32 $0xC00, s0;
	s22 =	sadd.s32 $0x180, s9;
	[smem:$0x7F7] =	sst s21  }
0x29: {  	s29 =	sadd.s32 $0x480, s9;
	s23 =	sadd.s32 $0x200, s9;
	[smem:$0x7F8] =	sst s22  }
0x2a: {  	s30 =	sadd.s32 $0x500, s9;
	s24 =	sadd.s32 $0x280, s9;
	[smem:$0x7F9] =	sst s23  }
0x2b: {  	s31 =	sadd.s32 $0x580, s9;
	s25 =	sadd.s32 $0x300, s9;
	[smem:$0x7FA] =	sst s24  }
0x2c: {  	s0 =	sadd.s32 $0x600, s9;
	[smem:$0x7FB] =	sst s25;
	s26 =	sadd.s32 $0x380, s9  }
0x2d: {  	s28 =	sadd.s32 $0x400, s9;
	s3 =	sadd.s32 $0x680, s9;
	s11 =	sadd.s32 $0x700, s9  }
0x2e: {  	v1 =	vimm.f32 $1.000000000e+00;
	s12 =	sadd.s32 $0x780, s9;
	s13 =	simm.s32 $0x1;
	[smem:$0x7FC] =	sst s26  }
0x2f: {  	v0 =	vimm.s32 $0x0;
	v1 =	vand.u32 $0x7FFFFFFF, v1;
	s14 =	simm.s32 $0x2;
	s15 =	simm.s32 $0x0;
	[smem:$0x7FD] =	sst s28  }
.LBB2_1:
0x30: {  	[tilespmem:s5], [sflag:$0x1] =	stream.linear.gather [hbm4b:s7+s5], $0x80, $0x38;
	[tilespmem:$0x4800] =	vst v63  }
0x31: {  	s16 =	rddreg [dreg:$0x6];
	s17 =	simm.s32 $0x100  }
0x32: {  	[tilespmem:s17], [sflag:$0x1] =	stream.linear.gather [hbm4b:s16+s5], $0x80, $0x38;
	[tilespmem:$0x4800] =	vst v63  }
0x33: {  	s18 =	rddreg [dreg:$0x7];
	s19 =	simm.s32 $0x200  }
0x34: {  	[tilespmem:s19], [sflag:$0x1] =	stream.linear.gather [hbm4b:s18+s5], $0x80, $0x38;
	[tilespmem:$0x4800] =	vst v63  }
0x35: {  	s20 =	rddreg [dreg:$0x8];
	s21 =	simm.s32 $0x300  }
0x36: {  	[tilespmem:s21], [sflag:$0x1] =	stream.linear.gather [hbm4b:s20+s5], $0x80, $0x38;
	[tilespmem:$0x4800] =	vst v63  }
0x37: {  	s22 =	rddreg [dreg:$0x9];
	s23 =	simm.s32 $0x400  }
0x38: {  	[tilespmem:s23], [sflag:$0x1] =	stream.linear.gather [hbm4b:s22+s5], $0x80, $0x38;
	[tilespmem:$0x4800] =	vst v63  }
0x39: {  	s24 =	rddreg [dreg:$0xa];
	s25 =	simm.s32 $0x500  }
0x3a: {  	[tilespmem:s25], [sflag:$0x1] =	stream.linear.gather [hbm4b:s24+s5], $0x80, $0x38;
	[tilespmem:$0x4800] =	vst v63  }
0x3b: {  	s26 =	rddreg [dreg:$0xb];
	s28 =	simm.s32 $0x600  }
0x3c: {  	[tilespmem:s28], [sflag:$0x1] =	stream.linear.gather [hbm4b:s26+s5], $0x80, $0x38;
	[tilespmem:$0x4800] =	vst v63  }
0x3d: {  	s18 =	rddreg [dreg:$0xc];
	s19 =	simm.s32 $0x700  }
0x3e: {  	[tilespmem:s19], [sflag:$0x1] =	stream.linear.gather [hbm4b:s18+s5], $0x80, $0x38;
	[tilespmem:$0x4800] =	vst v63  }
0x3f: {  	s20 =	rddreg [dreg:$0xd];
	s21 =	simm.s32 $0x800  }
0x40: {  	[tilespmem:s21], [sflag:$0x1] =	stream.linear.gather [hbm4b:s20+s5], $0x80, $0x38;
	[tilespmem:$0x4800] =	vst v63  }
0x41: {  	s22 =	rddreg [dreg:$0xe];
	s23 =	simm.s32 $0x900  }
0x42: {  	[tilespmem:s23], [sflag:$0x1] =	stream.linear.gather [hbm4b:s22+s5], $0x80, $0x38;
	[tilespmem:$0x4800] =	vst v63  }
0x43: {  	s24 =	rddreg [dreg:$0xf];
	s25 =	simm.s32 $0xA00  }
0x44: {  	[tilespmem:s25], [sflag:$0x1] =	stream.linear.gather [hbm4b:s24+s5], $0x80, $0x38;
	[tilespmem:$0x4800] =	vst v63  }
0x45: {  	s26 =	rddreg [dreg:$0x10];
	s28 =	simm.s32 $0xB00  }
0x46: {  	[tilespmem:s28], [sflag:$0x1] =	stream.linear.gather [hbm4b:s26+s5], $0x80, $0x38;
	[tilespmem:$0x4800] =	vst v63  }
0x47: {  	s17 =	rddreg [dreg:$0x11];
	s18 =	simm.s32 $0xC00  }
0x48: {  	[tilespmem:s18], [sflag:$0x1] =	stream.linear.gather [hbm4b:s17+s5], $0x80, $0x38;
	[tilespmem:$0x4800] =	vst v63  }
0x49: {  	s19 =	rddreg [dreg:$0x12];
	s20 =	simm.s32 $0xD00  }
0x4a: {  	[tilespmem:s20], [sflag:$0x1] =	stream.linear.gather [hbm4b:s19+s5], $0x80, $0x38;
	[tilespmem:$0x4800] =	vst v63  }
0x4b: {  	s21 =	rddreg [dreg:$0x13];
	s22 =	simm.s32 $0xE00  }
0x4c: {  	[tilespmem:s22], [sflag:$0x1] =	stream.linear.gather [hbm4b:s21+s5], $0x80, $0x38;
	[tilespmem:$0x4800] =	vst v63  }
0x4d: {  	s23 =	rddreg [dreg:$0x14];
	s24 =	simm.s32 $0xF00  }
0x4e: {  	[tilespmem:s24], [sflag:$0x1] =	stream.linear.gather [hbm4b:s23+s5], $0x80, $0x38;
	[tilespmem:$0x4800] =	vst v63  }
0x4f: {  	s25 =	simm.s32 $0x1000;
	s26 =	rddreg [dreg:$0x15]  }
0x50: {  	[tilespmem:s25], [sflag:$0x1] =	stream.linear.gather [hbm4b:s8+s5], $0x80, $0x38;
	[tilespmem:$0x4800] =	vst v63  }
0x51: {  	s28 =	simm.s32 $0x1100;
	s18 =	rddreg [dreg:$0x16]  }
0x52: {  	[tilespmem:s28], [sflag:$0x1] =	stream.linear.gather [hbm4b:s26+s5], $0x80, $0x38;
	[tilespmem:$0x4800] =	vst v63  }
0x53: {  	s17 =	sld [smem:$0x7F2];
	s19 =	simm.s32 $0x1200  }
0x54: {  	[tilespmem:s19], [sflag:$0x1] =	stream.linear.gather [hbm4b:s18+s5], $0x80, $0x38;
	[tilespmem:$0x4800] =	vst v63  }
0x55: {  	s20 =	rddreg [dreg:$0x17];
	s21 =	simm.s32 $0x1300  }
0x56: {  	[tilespmem:s21], [sflag:$0x1] =	stream.linear.gather [hbm4b:s20+s5], $0x80, $0x38;
	[tilespmem:$0x4800] =	vst v63  }
0x57: {  	s22 =	rddreg [dreg:$0x18];
	s23 =	simm.s32 $0x1400  }
0x58: {  	[tilespmem:s23], [sflag:$0x1] =	stream.linear.gather [hbm4b:s22+s5], $0x80, $0x38;
	[tilespmem:$0x4800] =	vst v63  }
0x59: {  	s24 =	rddreg [dreg:$0x19];
	s25 =	simm.s32 $0x1500  }
0x5a: {  	[tilespmem:s25], [sflag:$0x1] =	stream.linear.gather [hbm4b:s24+s5], $0x80, $0x38;
	[tilespmem:$0x4800] =	vst v63  }
0x5b: {  	s26 =	rddreg [dreg:$0x1a];
	s28 =	simm.s32 $0x1600  }
0x5c: {  	[tilespmem:s28], [sflag:$0x1] =	stream.linear.gather [hbm4b:s26+s5], $0x80, $0x38;
	[tilespmem:$0x4800] =	vst v63  }
0x5d: {  	s18 =	rddreg [dreg:$0x1b];
	s19 =	simm.s32 $0x1700  }
0x5e: {  	[tilespmem:s19], [sflag:$0x1] =	stream.linear.gather [hbm4b:s18+s5], $0x80, $0x38;
	[tilespmem:$0x4800] =	vst v63  }
0x5f: {  	s20 =	rddreg [dreg:$0x1c];
	s21 =	simm.s32 $0x1800  }
0x60: {  	[tilespmem:s21], [sflag:$0x1] =	stream.linear.gather [hbm4b:s20+s5], $0x80, $0x38;
	[tilespmem:$0x4800] =	vst v63  }
0x61: {  	s22 =	rddreg [dreg:$0x1d];
	s23 =	simm.s32 $0x1900  }
0x62: {  	[tilespmem:s23], [sflag:$0x1] =	stream.linear.gather [hbm4b:s22+s5], $0x80, $0x38;
	[tilespmem:$0x4800] =	vst v63  }
0x63: {  	s24 =	rddreg [dreg:$0x1e];
	s25 =	simm.s32 $0x1A00  }
0x64: {  	[tilespmem:s25], [sflag:$0x1] =	stream.linear.gather [hbm4b:s24+s5], $0x80, $0x38;
	[tilespmem:$0x4800] =	vst v63  }
0x65: {  	s26 =	rddreg [dreg:$0x1f];
	s28 =	simm.s32 $0x1B00  }
0x66: {  	[tilespmem:s28], [sflag:$0x1] =	stream.linear.gather [hbm4b:s26+s5], $0x80, $0x38;
	[tilespmem:$0x4800] =	vst v63  }
0x67: {  	s18 =	simm.s32 $0x1C00;
	s19 =	sld [smem:$0x7F3]  }
0x68: {  	[tilespmem:s18], [sflag:$0x1] =	stream.linear.gather [hbm4b:s17+s5], $0x80, $0x38;
	[tilespmem:$0x4800] =	vst v63  }
0x69: {  	s20 =	simm.s32 $0x1D00;
	s21 =	sld [smem:$0x7F4]  }
0x6a: {  	[tilespmem:s20], [sflag:$0x1] =	stream.linear.gather [hbm4b:s19+s5], $0x80, $0x38;
	[tilespmem:$0x4800] =	vst v63  }
0x6b: {  	s22 =	simm.s32 $0x1E00;
	s23 =	sld [smem:$0x7F5]  }
0x6c: {  	[tilespmem:s22], [sflag:$0x1] =	stream.linear.gather [hbm4b:s21+s5], $0x80, $0x38;
	[tilespmem:$0x4800] =	vst v63  }
0x6d: {  	s24 =	simm.s32 $0x1F00  }
0x6e: {  	[tilespmem:s24], [sflag:$0x1] =	stream.linear.gather [hbm4b:s23+s5], $0x80, $0x38;
	[tilespmem:$0x4800] =	vst v63  }
0x6f: {  	s25 =	simm.s32 $0x2000;
	s26 =	sld [smem:$0x7F6]  }
0x70: {  	[tilespmem:s25], [sflag:$0x1] =	stream.linear.gather [hbm4b:s9+s5], $0x80, $0x38;
	[tilespmem:$0x4800] =	vst v63  }
0x71: {  	s28 =	simm.s32 $0x2100;
	s18 =	sld [smem:$0x7F7]  }
0x72: {  	[tilespmem:s28], [sflag:$0x1] =	stream.linear.gather [hbm4b:s26+s5], $0x80, $0x38;
	[tilespmem:$0x4800] =	vst v63  }
0x73: {  	s19 =	simm.s32 $0x2200;
	s20 =	sld [smem:$0x7F8]  }
0x74: {  	[tilespmem:s19], [sflag:$0x1] =	stream.linear.gather [hbm4b:s18+s5], $0x80, $0x38;
	[tilespmem:$0x4800] =	vst v63  }
0x75: {  	s21 =	simm.s32 $0x2300;
	s22 =	sld [smem:$0x7F9]  }
0x76: {  	[tilespmem:s21], [sflag:$0x1] =	stream.linear.gather [hbm4b:s20+s5], $0x80, $0x38;
	[tilespmem:$0x4800] =	vst v63  }
0x77: {  	s23 =	simm.s32 $0x2400;
	s24 =	sld [smem:$0x7FA]  }
0x78: {  	[tilespmem:s23], [sflag:$0x1] =	stream.linear.gather [hbm4b:s22+s5], $0x80, $0x38;
	[tilespmem:$0x4800] =	vst v63  }
0x79: {  	s25 =	simm.s32 $0x2500;
	s26 =	sld [smem:$0x7FB]  }
0x7a: {  	[tilespmem:s25], [sflag:$0x1] =	stream.linear.gather [hbm4b:s24+s5], $0x80, $0x38;
	[tilespmem:$0x4800] =	vst v63  }
0x7b: {  	s17 =	sld [smem:$0x7FC];
	s28 =	simm.s32 $0x2600  }
0x7c: {  	[tilespmem:s28], [sflag:$0x1] =	stream.linear.gather [hbm4b:s26+s5], $0x80, $0x38;
	[tilespmem:$0x4800] =	vst v63  }
0x7d: {  	s18 =	simm.s32 $0x2700;
	s19 =	sld [smem:$0x7FD]  }
0x7e: {  	[tilespmem:s18], [sflag:$0x1] =	stream.linear.gather [hbm4b:s17+s5], $0x80, $0x38;
	[tilespmem:$0x4800] =	vst v63  }
0x7f: {  	s20 =	simm.s32 $0x2800  }
0x80: {  	[tilespmem:s20], [sflag:$0x1] =	stream.linear.gather [hbm4b:s19+s5], $0x80, $0x38;
	[tilespmem:$0x4800] =	vst v63  }
0x81: {  	s21 =	simm.s32 $0x2900  }
0x82: {  	[tilespmem:s21], [sflag:$0x1] =	stream.linear.gather [hbm4b:s29+s5], $0x80, $0x38;
	[tilespmem:$0x4800] =	vst v63  }
0x83: {  	s22 =	simm.s32 $0x2A00  }
0x84: {  	[tilespmem:s22], [sflag:$0x1] =	stream.linear.gather [hbm4b:s30+s5], $0x80, $0x38;
	[tilespmem:$0x4800] =	vst v63  }
0x85: {  	s23 =	simm.s32 $0x2B00  }
0x86: {  	[tilespmem:s23], [sflag:$0x1] =	stream.linear.gather [hbm4b:s31+s5], $0x80, $0x38;
	[tilespmem:$0x4800] =	vst v63  }
0x87: {  	s24 =	simm.s32 $0x2C00  }
0x88: {  	[tilespmem:s24], [sflag:$0x1] =	stream.linear.gather [hbm4b:s0+s5], $0x80, $0x38;
	[tilespmem:$0x4800] =	vst v63  }
0x89: {  	s25 =	simm.s32 $0x2D00  }
0x8a: {  	[tilespmem:s25], [sflag:$0x1] =	stream.linear.gather [hbm4b:s3+s5], $0x80, $0x38;
	[tilespmem:$0x4800] =	vst v63  }
0x8b: {  	s26 =	simm.s32 $0x2E00  }
0x8c: {  	[tilespmem:s26], [sflag:$0x1] =	stream.linear.gather [hbm4b:s11+s5], $0x80, $0x38;
	[tilespmem:$0x4800] =	vst v63  }
0x8d: {  	s16 =	simm.s32 $0x0;
	s28 =	simm.s32 $0x2F00  }
0x8e: {  	[tilespmem:s28], [sflag:$0x1] =	stream.linear.gather [hbm4b:s12+s5], $0x80, $0x38;
	[tilespmem:$0x4800] =	vst v63  }
.LBB2_2:
0x8f: {  	p0 =	seq.s32 s16, $0x7  }
.Ltmp0:
0x90: {  	_ = 	snop;
	(pc) =	sbr.rel @p0 .LBB2_4-.Ltmp0, $2  }
0x91: {  	_ =	sdelay $0x2  }
0x92: {  	s18 =	sadd.s32 $0x1, s16  }
0x93: {  	s17 =	sadd.s32 s6, s18  }
0x94: {  	s19 =	sshll.u32 s18, $0x4;
	s17 =	sshll.u32 s17, $0x8  }
0x95: {  	s19 =	sand.u32 $0x70, s19;
	s17 =	sand.u32 $0x1F800, s17  }
0x96: {  	s20 =	sshll.u32 s18, $0x7;
	s19 =	sor.u32 s19, s17  }
0x97: {  	s17 =	sand.u32 $0x80, s20;
	s20 =	sadd.s32 s1, s19  }
0x98: {  	[tilespmem:s17], [sflag:$0x1] =	stream.linear.gather [hbm4b:s20+s5], $0x80, $0x38;
	[tilespmem:$0x4800] =	vst v63  }
0x99: {  	s22 =	sor.u32 $0x100, s17;
	s21 =	sadd.s32 $0x80, s20  }
0x9a: {  	[tilespmem:s22], [sflag:$0x1] =	stream.linear.gather [hbm4b:s21+s5], $0x80, $0x38;
	[tilespmem:$0x4800] =	vst v63  }
0x9b: {  	s28 =	sor.u32 $0x200, s17;
	s26 =	sadd.s32 $0x100, s20  }
0x9c: {  	[tilespmem:s28], [sflag:$0x1] =	stream.linear.gather [hbm4b:s26+s5], $0x80, $0x38;
	[tilespmem:$0x4800] =	vst v63  }
0x9d: {  	s23 =	sor.u32 $0x300, s17;
	s22 =	sadd.s32 $0x180, s20  }
0x9e: {  	[tilespmem:s23], [sflag:$0x1] =	stream.linear.gather [hbm4b:s22+s5], $0x80, $0x38;
	[tilespmem:$0x4800] =	vst v63  }
0x9f: {  	s25 =	sor.u32 $0x400, s17;
	s24 =	sadd.s32 $0x200, s20  }
0xa0: {  	[tilespmem:s25], [sflag:$0x1] =	stream.linear.gather [hbm4b:s24+s5], $0x80, $0x38;
	[tilespmem:$0x4800] =	vst v63  }
0xa1: {  	s26 =	sadd.s32 $0x280, s20;
	s28 =	sor.u32 $0x500, s17  }
0xa2: {  	[tilespmem:s28], [sflag:$0x1] =	stream.linear.gather [hbm4b:s26+s5], $0x80, $0x38;
	[tilespmem:$0x4800] =	vst v63  }
0xa3: {  	s22 =	sadd.s32 $0x300, s20;
	s23 =	sor.u32 $0x600, s17  }
0xa4: {  	[tilespmem:s23], [sflag:$0x1] =	stream.linear.gather [hbm4b:s22+s5], $0x80, $0x38;
	[tilespmem:$0x4800] =	vst v63  }
0xa5: {  	s24 =	sadd.s32 $0x380, s20;
	s25 =	sor.u32 $0x700, s17  }
0xa6: {  	[tilespmem:s25], [sflag:$0x1] =	stream.linear.gather [hbm4b:s24+s5], $0x80, $0x38;
	[tilespmem:$0x4800] =	vst v63  }
0xa7: {  	s26 =	sadd.s32 $0x400, s20;
	s28 =	sor.u32 $0x800, s17  }
0xa8: {  	[tilespmem:s28], [sflag:$0x1] =	stream.linear.gather [hbm4b:s26+s5], $0x80, $0x38;
	[tilespmem:$0x4800] =	vst v63  }
0xa9: {  	s22 =	sadd.s32 $0x480, s20;
	s23 =	sor.u32 $0x900, s17  }
0xaa: {  	[tilespmem:s23], [sflag:$0x1] =	stream.linear.gather [hbm4b:s22+s5], $0x80, $0x38;
	[tilespmem:$0x4800] =	vst v63  }
0xab: {  	s24 =	sadd.s32 $0x500, s20;
	s25 =	sor.u32 $0xA00, s17  }
0xac: {  	[tilespmem:s25], [sflag:$0x1] =	stream.linear.gather [hbm4b:s24+s5], $0x80, $0x38;
	[tilespmem:$0x4800] =	vst v63  }
0xad: {  	s26 =	sadd.s32 $0x580, s20;
	s28 =	sor.u32 $0xB00, s17  }
0xae: {  	[tilespmem:s28], [sflag:$0x1] =	stream.linear.gather [hbm4b:s26+s5], $0x80, $0x38;
	[tilespmem:$0x4800] =	vst v63  }
0xaf: {  	s22 =	sadd.s32 $0x600, s20;
	s23 =	sor.u32 $0xC00, s17  }
0xb0: {  	[tilespmem:s23], [sflag:$0x1] =	stream.linear.gather [hbm4b:s22+s5], $0x80, $0x38;
	[tilespmem:$0x4800] =	vst v63  }
0xb1: {  	s24 =	sadd.s32 $0x680, s20;
	s25 =	sor.u32 $0xD00, s17  }
0xb2: {  	[tilespmem:s25], [sflag:$0x1] =	stream.linear.gather [hbm4b:s24+s5], $0x80, $0x38;
	[tilespmem:$0x4800] =	vst v63  }
0xb3: {  	s26 =	sadd.s32 $0x700, s20;
	s28 =	sor.u32 $0xE00, s17  }
0xb4: {  	[tilespmem:s28], [sflag:$0x1] =	stream.linear.gather [hbm4b:s26+s5], $0x80, $0x38;
	[tilespmem:$0x4800] =	vst v63  }
0xb5: {  	s20 =	sadd.s32 $0x780, s20;
	s22 =	sor.u32 $0xF00, s17  }
0xb6: {  	[tilespmem:s22], [sflag:$0x1] =	stream.linear.gather [hbm4b:s20+s5], $0x80, $0x38;
	[tilespmem:$0x4800] =	vst v63  }
0xb7: {  	s21 =	sadd.s32 s2, s19;
	s23 =	sor.u32 $0x1000, s17  }
0xb8: {  	[tilespmem:s23], [sflag:$0x1] =	stream.linear.gather [hbm4b:s21+s5], $0x80, $0x38;
	[tilespmem:$0x4800] =	vst v63  }
0xb9: {  	s24 =	sadd.s32 $0x80, s21;
	s25 =	sor.u32 $0x1100, s17  }
0xba: {  	[tilespmem:s25], [sflag:$0x1] =	stream.linear.gather [hbm4b:s24+s5], $0x80, $0x38;
	[tilespmem:$0x4800] =	vst v63  }
0xbb: {  	s26 =	sadd.s32 $0x100, s21;
	s28 =	sor.u32 $0x1200, s17  }
0xbc: {  	[tilespmem:s28], [sflag:$0x1] =	stream.linear.gather [hbm4b:s26+s5], $0x80, $0x38;
	[tilespmem:$0x4800] =	vst v63  }
0xbd: {  	s22 =	sadd.s32 $0x180, s21;
	s23 =	sor.u32 $0x1300, s17  }
0xbe: {  	[tilespmem:s23], [sflag:$0x1] =	stream.linear.gather [hbm4b:s22+s5], $0x80, $0x38;
	[tilespmem:$0x4800] =	vst v63  }
0xbf: {  	s24 =	sadd.s32 $0x200, s21;
	s25 =	sor.u32 $0x1400, s17  }
0xc0: {  	[tilespmem:s25], [sflag:$0x1] =	stream.linear.gather [hbm4b:s24+s5], $0x80, $0x38;
	[tilespmem:$0x4800] =	vst v63  }
0xc1: {  	s26 =	sadd.s32 $0x280, s21;
	s28 =	sor.u32 $0x1500, s17  }
0xc2: {  	[tilespmem:s28], [sflag:$0x1] =	stream.linear.gather [hbm4b:s26+s5], $0x80, $0x38;
	[tilespmem:$0x4800] =	vst v63  }
0xc3: {  	s22 =	sadd.s32 $0x300, s21;
	s23 =	sor.u32 $0x1600, s17  }
0xc4: {  	[tilespmem:s23], [sflag:$0x1] =	stream.linear.gather [hbm4b:s22+s5], $0x80, $0x38;
	[tilespmem:$0x4800] =	vst v63  }
0xc5: {  	s24 =	sadd.s32 $0x380, s21;
	s25 =	sor.u32 $0x1700, s17  }
0xc6: {  	[tilespmem:s25], [sflag:$0x1] =	stream.linear.gather [hbm4b:s24+s5], $0x80, $0x38;
	[tilespmem:$0x4800] =	vst v63  }
0xc7: {  	s26 =	sadd.s32 $0x400, s21;
	s28 =	sor.u32 $0x1800, s17  }
0xc8: {  	[tilespmem:s28], [sflag:$0x1] =	stream.linear.gather [hbm4b:s26+s5], $0x80, $0x38;
	[tilespmem:$0x4800] =	vst v63  }
0xc9: {  	s22 =	sadd.s32 $0x480, s21;
	s23 =	sor.u32 $0x1900, s17  }
0xca: {  	[tilespmem:s23], [sflag:$0x1] =	stream.linear.gather [hbm4b:s22+s5], $0x80, $0x38;
	[tilespmem:$0x4800] =	vst v63  }
0xcb: {  	s24 =	sadd.s32 $0x500, s21;
	s25 =	sor.u32 $0x1A00, s17  }
0xcc: {  	[tilespmem:s25], [sflag:$0x1] =	stream.linear.gather [hbm4b:s24+s5], $0x80, $0x38;
	[tilespmem:$0x4800] =	vst v63  }
0xcd: {  	s26 =	sadd.s32 $0x580, s21;
	s28 =	sor.u32 $0x1B00, s17  }
0xce: {  	[tilespmem:s28], [sflag:$0x1] =	stream.linear.gather [hbm4b:s26+s5], $0x80, $0x38;
	[tilespmem:$0x4800] =	vst v63  }
0xcf: {  	s22 =	sadd.s32 $0x600, s21;
	s23 =	sor.u32 $0x1C00, s17  }
0xd0: {  	[tilespmem:s23], [sflag:$0x1] =	stream.linear.gather [hbm4b:s22+s5], $0x80, $0x38;
	[tilespmem:$0x4800] =	vst v63  }
0xd1: {  	s24 =	sadd.s32 $0x680, s21;
	s25 =	sor.u32 $0x1D00, s17  }
0xd2: {  	[tilespmem:s25], [sflag:$0x1] =	stream.linear.gather [hbm4b:s24+s5], $0x80, $0x38;
	[tilespmem:$0x4800] =	vst v63  }
0xd3: {  	s26 =	sadd.s32 $0x700, s21;
	s28 =	sor.u32 $0x1E00, s17  }
0xd4: {  	[tilespmem:s28], [sflag:$0x1] =	stream.linear.gather [hbm4b:s26+s5], $0x80, $0x38;
	[tilespmem:$0x4800] =	vst v63  }
0xd5: {  	s21 =	sadd.s32 $0x780, s21;
	s22 =	sor.u32 $0x1F00, s17  }
0xd6: {  	[tilespmem:s22], [sflag:$0x1] =	stream.linear.gather [hbm4b:s21+s5], $0x80, $0x38;
	[tilespmem:$0x4800] =	vst v63  }
0xd7: {  	s19 =	sadd.s32 s4, s19;
	s23 =	sor.u32 $0x2000, s17  }
0xd8: {  	[tilespmem:s23], [sflag:$0x1] =	stream.linear.gather [hbm4b:s19+s5], $0x80, $0x38;
	[tilespmem:$0x4800] =	vst v63  }
0xd9: {  	s24 =	sadd.s32 $0x80, s19;
	s25 =	sor.u32 $0x2100, s17  }
0xda: {  	[tilespmem:s25], [sflag:$0x1] =	stream.linear.gather [hbm4b:s24+s5], $0x80, $0x38;
	[tilespmem:$0x4800] =	vst v63  }
0xdb: {  	s26 =	sadd.s32 $0x100, s19;
	s28 =	sor.u32 $0x2200, s17  }
0xdc: {  	[tilespmem:s28], [sflag:$0x1] =	stream.linear.gather [hbm4b:s26+s5], $0x80, $0x38;
	[tilespmem:$0x4800] =	vst v63  }
0xdd: {  	s22 =	sadd.s32 $0x180, s19;
	s23 =	sor.u32 $0x2300, s17  }
0xde: {  	[tilespmem:s23], [sflag:$0x1] =	stream.linear.gather [hbm4b:s22+s5], $0x80, $0x38;
	[tilespmem:$0x4800] =	vst v63  }
0xdf: {  	s24 =	sadd.s32 $0x200, s19;
	s25 =	sor.u32 $0x2400, s17  }
0xe0: {  	[tilespmem:s25], [sflag:$0x1] =	stream.linear.gather [hbm4b:s24+s5], $0x80, $0x38;
	[tilespmem:$0x4800] =	vst v63  }
0xe1: {  	s26 =	sadd.s32 $0x280, s19;
	s28 =	sor.u32 $0x2500, s17  }
0xe2: {  	[tilespmem:s28], [sflag:$0x1] =	stream.linear.gather [hbm4b:s26+s5], $0x80, $0x38;
	[tilespmem:$0x4800] =	vst v63  }
0xe3: {  	s22 =	sadd.s32 $0x300, s19;
	s23 =	sor.u32 $0x2600, s17  }
0xe4: {  	[tilespmem:s23], [sflag:$0x1] =	stream.linear.gather [hbm4b:s22+s5], $0x80, $0x38;
	[tilespmem:$0x4800] =	vst v63  }
0xe5: {  	s24 =	sadd.s32 $0x380, s19;
	s25 =	sor.u32 $0x2700, s17  }
0xe6: {  	[tilespmem:s25], [sflag:$0x1] =	stream.linear.gather [hbm4b:s24+s5], $0x80, $0x38;
	[tilespmem:$0x4800] =	vst v63  }
0xe7: {  	s26 =	sadd.s32 $0x400, s19;
	s28 =	sor.u32 $0x2800, s17  }
0xe8: {  	[tilespmem:s28], [sflag:$0x1] =	stream.linear.gather [hbm4b:s26+s5], $0x80, $0x38;
	[tilespmem:$0x4800] =	vst v63  }
0xe9: {  	s22 =	sadd.s32 $0x480, s19;
	s23 =	sor.u32 $0x2900, s17  }
0xea: {  	[tilespmem:s23], [sflag:$0x1] =	stream.linear.gather [hbm4b:s22+s5], $0x80, $0x38;
	[tilespmem:$0x4800] =	vst v63  }
0xeb: {  	s24 =	sadd.s32 $0x500, s19;
	s25 =	sor.u32 $0x2A00, s17  }
0xec: {  	[tilespmem:s25], [sflag:$0x1] =	stream.linear.gather [hbm4b:s24+s5], $0x80, $0x38;
	[tilespmem:$0x4800] =	vst v63  }
0xed: {  	s26 =	sadd.s32 $0x580, s19;
	s28 =	sor.u32 $0x2B00, s17  }
0xee: {  	[tilespmem:s28], [sflag:$0x1] =	stream.linear.gather [hbm4b:s26+s5], $0x80, $0x38;
	[tilespmem:$0x4800] =	vst v63  }
0xef: {  	s22 =	sadd.s32 $0x600, s19;
	s23 =	sor.u32 $0x2C00, s17  }
0xf0: {  	[tilespmem:s23], [sflag:$0x1] =	stream.linear.gather [hbm4b:s22+s5], $0x80, $0x38;
	[tilespmem:$0x4800] =	vst v63  }
0xf1: {  	s24 =	sadd.s32 $0x680, s19;
	s25 =	sor.u32 $0x2D00, s17  }
0xf2: {  	[tilespmem:s25], [sflag:$0x1] =	stream.linear.gather [hbm4b:s24+s5], $0x80, $0x38;
	[tilespmem:$0x4800] =	vst v63  }
0xf3: {  	s26 =	sadd.s32 $0x700, s19;
	s28 =	sor.u32 $0x2E00, s17  }
0xf4: {  	[tilespmem:s28], [sflag:$0x1] =	stream.linear.gather [hbm4b:s26+s5], $0x80, $0x38;
	[tilespmem:$0x4800] =	vst v63  }
0xf5: {  	s19 =	sadd.s32 $0x780, s19;
	s17 =	sor.u32 $0x2F00, s17  }
0xf6: {  	[tilespmem:s17], [sflag:$0x1] =	stream.linear.gather [hbm4b:s19+s5], $0x80, $0x38;
	[tilespmem:$0x4800] =	vst v63  }
.LBB2_4:
0xf7: {  	_ =	swait.ge [sflag:s13], $0x800  }
0xf8: {  	[sflag:s13] =	ssyncset.done $0x0  }
0xf9: {  	[sflag:s13] =	ssyncadd.s32 $0xFFFFF800  }
0xfa: {  	_ =	swait.ge [sflag:s13], $0x800  }
0xfb: {  	[sflag:s13] =	ssyncset.done $0x0  }
0xfc: {  	s17 =	sshll.u32 s16, $0x7;
	s19 =	simm.s32 $0x0;
	[sflag:s13] =	ssyncadd.s32 $0xFFFFF800  }
0xfd: {  	s17 =	sand.u32 $0x80, s17;
	s20 =	sand.u32 $0xF00, s19;
	_ =	swait.ge [sflag:s13], $0x800  }
0xfe: {  	s21 =	sand.u32 $0x40, s19;
	s20 =	sor.u32 s17, s20;
	[sflag:s13] =	ssyncset.done $0x0  }
0xff: {  	s22 =	sor.u32 s21, s20;
	[sflag:s13] =	ssyncadd.s32 $0xFFFFF800  }
0x100: {  	v2 =	vld [tilespmem:s22+$0x0]  }
0x101: {  	v3 =	vld [tilespmem:s22+$0x1000];
	_ =	sdelay $0x4  }
0x102: {  	v2 =	vadd.f32 v3, v2  }
0x103: {  	s28 =	simm.s32 $0x4000;
	s23 =	sor.u32 $0x10, s21  }
0x104: {  	s24 =	sor.u32 s23, s20;
	[tilespmem:s28+$0x0] =	vst v2  }
0x105: {  	v3 =	vld [tilespmem:s24+$0x0]  }
0x106: {  	v4 =	vld [tilespmem:s24+$0x1000];
	_ =	sdelay $0x3  }
0x107: {  	s19 =	sand.u32 $0x780, s19  }
0x108: {  	s19 =	sor.u32 $0x4000, s19;
	v3 =	vadd.f32 v4, v3  }
0x109: {  	s26 =	sor.u32 $0x20, s21;
	s25 =	sor.u32 s23, s19  }
0x10a: {  	s28 =	sor.u32 s26, s20;
	[tilespmem:s25+$0x0] =	vst v3  }
0x10b: {  	v4 =	vld [tilespmem:s28+$0x0]  }
0x10c: {  	v5 =	vld [tilespmem:s28+$0x1000];
	_ =	sdelay $0x4  }
0x10d: {  	v4 =	vadd.f32 v5, v4  }
0x10e: {  	s23 =	sor.u32 s26, s19;
	s21 =	sor.u32 $0x30, s21  }
0x10f: {  	s20 =	sor.u32 s21, s20;
	[tilespmem:s23+$0x0] =	vst v4  }
0x110: {  	v5 =	vld [tilespmem:s20+$0x0]  }
0x111: {  	v6 =	vld [tilespmem:s20+$0x1000];
	_ =	sdelay $0x3  }
0x112: {  	s24 =	simm.s32 $0x80  }
0x113: {  	s22 =	simm.s32 $0x40;
	s20 =	sand.u32 $0xF00, s24;
	v5 =	vadd.f32 v6, v5  }
0x114: {  	s19 =	sor.u32 s21, s19;
	s23 =	sand.u32 $0x40, s22;
	s20 =	sor.u32 s17, s20  }
0x115: {  	s25 =	sor.u32 s23, s20;
	[tilespmem:s19+$0x0] =	vst v5  }
0x116: {  	v6 =	vld [tilespmem:s25+$0x0]  }
0x117: {  	(xrf1) =	vsort.ascd.msk.f32 $0xffff, v2, v2;
	v7 =	vld [tilespmem:s25+$0x1000]  }
0x118: {  	(xrf1) =	vsort.dscd.msk.f32 $0xffff, v3, v3  }
0x119: {  	(xrf1) =	vsort.ascd.msk.f32 $0xffff, v4, v4  }
0x11a: {  	(xrf1) =	vsort.dscd.msk.f32 $0xffff, v5, v5;
	_ =	sdelay $0x1  }
0x11b: {  	v2 =	vadd.f32 v7, v6  }
0x11c: {  	s28 =	simm.s32 $0x4040;
	s26 =	sor.u32 $0x10, s23  }
0x11d: {  	s24 =	sor.u32 s26, s20;
	[tilespmem:s28+$0x0] =	vst v2  }
0x11e: {  	v3 =	vld [tilespmem:s24+$0x0]  }
0x11f: {  	v4 =	vld [tilespmem:s24+$0x1000];
	_ =	sdelay $0x3  }
0x120: {  	s25 =	sand.u32 $0x780, s22  }
0x121: {  	v6, _, _ =	vpop (xrf1);
	s24 =	sor.u32 $0x4000, s25;
	v3 =	vadd.f32 v4, v3  }
0x122: {  	v7, _, _ =	vpop (xrf1);
	s19 =	sor.u32 s26, s24;
	s26 =	sor.u32 $0x20, s23  }
0x123: {  	v8, _, _ =	vpop (xrf1);
	s28 =	sor.u32 s26, s20;
	[tilespmem:s19+$0x0] =	vst v3  }
0x124: {  	v6 =	vmax.f32 v6, v7;
	v7, _, _ =	vpop (xrf1);
	v4 =	vld [tilespmem:s28+$0x0]  }
0x125: {  	(xrf1) =	vsort.ascd.msk.f32 $0xffff, v6, v6;
	v6 =	vmax.f32 v8, v7;
	v5 =	vld [tilespmem:s28+$0x1000]  }
0x126: {  	(xrf1) =	vsort.dscd.msk.f32 $0xffff, v6, v6;
	_ =	sdelay $0x3  }
0x127: {  	v4 =	vadd.f32 v5, v4  }
0x128: {  	s23 =	sor.u32 $0x30, s23;
	s22 =	sor.u32 s26, s24  }
0x129: {  	s25 =	sor.u32 s23, s20;
	(xrf1) =	vsort.ascd.msk.f32 $0xffff, v2, v2;
	[tilespmem:s22+$0x0] =	vst v4  }
0x12a: {  	v2 =	vld [tilespmem:s25+$0x0]  }
0x12b: {  	(xrf1) =	vsort.dscd.msk.f32 $0xffff, v3, v3;
	v3 =	vld [tilespmem:s25+$0x1000];
	_ =	sdelay $0x4  }
0x12c: {  	v3 =	vadd.f32 v3, v2;
	v2, _, _ =	vpop (xrf1)  }
0x12d: {  	v7, _, _ =	vpop (xrf1)  }
0x12e: {  	(xrf1) =	vsort.ascd.msk.f32 $0xffff, v4, v4;
	v2 =	vmax.f32 v2, v7  }
0x12f: {  	(xrf1) =	vsort.dscd.msk.f32 $0xffff, v2, v2  }
0x130: {  	s20 =	simm.s32 $0x100  }
0x131: {  	s26 =	sand.u32 $0xF00, s20;
	s19 =	simm.s32 $0x80  }
0x132: {  	s23 =	sor.u32 s23, s24;
	s21 =	sor.u32 s17, s26;
	s22 =	sand.u32 $0x40, s19  }
0x133: {  	s28 =	sor.u32 s22, s21;
	[tilespmem:s23+$0x0] =	vst v3;
	v63, _, _ =	vpop (xrf1);
	(xrf1) =	vsort.dscd.msk.f32 $0xffff, v3, v3  }
0x134: {  	v5 =	vld [tilespmem:s28+$0x0]  }
0x135: {  	v6 =	vld [tilespmem:s28+$0x1000];
	_ =	sdelay $0x3  }
0x136: {  	v4, _, _ =	vpop (xrf1)  }
0x137: {  	s24 =	simm.s32 $0x4080;
	s25 =	sor.u32 $0x10, s22;
	s23 =	simm.s32 $0xC0;
	v2 =	vimm.f32 $-Inf;
	v4 =	vmax.f32 v63, v4;
	v3 =	vadd.f32 v6, v5  }
.LBB2_5:
0x138: {  	p0 =	sne.s32 s23, $0x7C0;
	s26 =	smov.u32 s23;
	s23 =	sadd.s32 $0x40, s23  }
0x139: {  	s28 =	sor.u32 s25, s21;
	[tilespmem:s24+$0x0] =	vst v3;
	v5, _, _ =	vpop (xrf1)  }
0x13a: {  	v6 =	vld [tilespmem:s28+$0x0];
	v7, _, _ =	vpop (xrf1)  }
0x13b: {  	v8 =	vld [tilespmem:s28+$0x1000];
	(xrf1) =	vsort.ascd.msk.f32 $0xffff, v4, v4;
	v2 =	vmax.f32 v2, v7  }
0x13c: {  	(xrf1) =	vsort.ascd.msk.f32 $0xffff, v2, v2  }
0x13d: {  	s28 =	sand.u32 $0x780, s19;
	s19 =	smov.u32 s26  }
0x13e: {  	s26 =	sor.u32 $0x4000, s28;
	v2, _, _ =	vpop (xrf1)  }
0x13f: {  	s25 =	sor.u32 s25, s26;
	v2 =	vmax.f32 v5, v2  }
0x140: {  	v4 =	vadd.f32 v8, v6;
	(xrf1) =	vsort.dscd.msk.f32 $0xffff, v2, v2  }
0x141: {  	s28 =	sor.u32 $0x20, s22;
	(xrf1) =	vsort.ascd.msk.f32 $0xffff, v3, v3  }
0x142: {  	[tilespmem:s25+$0x0] =	vst v4;
	s25 =	sor.u32 s28, s21;
	(xrf1) =	vsort.dscd.msk.f32 $0xffff, v4, v4  }
0x143: {  	v2 =	vld [tilespmem:s25+$0x0]  }
0x144: {  	v3 =	vld [tilespmem:s25+$0x1000];
	_ =	sdelay $0x2  }
0x145: {  	s25 =	sor.u32 s28, s26;
	_ =	sdelay $0x1  }
0x146: {  	v3 =	vadd.f32 v3, v2;
	v4, _, _ =	vpop (xrf1)  }
0x147: {  	s28 =	sor.u32 $0x30, s22;
	v2, _, _ =	vpop (xrf1)  }
0x148: {  	s21 =	sor.u32 s28, s21;
	[tilespmem:s25+$0x0] =	vst v3  }
0x149: {  	v5 =	vld [tilespmem:s21+$0x0]  }
0x14a: {  	v6 =	vld [tilespmem:s21+$0x1000]  }
0x14b: {  	v7, _, _ =	vpop (xrf1)  }
0x14c: {  	v8, _, _ =	vpop (xrf1);
	(xrf1) =	vsort.ascd.msk.f32 $0xffff, v3, v3;
	v3 =	vmax.f32 v4, v7  }
0x14d: {  	v4, _, _ =	vpop (xrf1);
	(xrf1) =	vsort.dscd.msk.f32 $0xffff, v3, v3  }
0x14e: {  	s20 =	sadd.s32 $0x80, s20;
	v4 =	vmax.f32 v8, v4  }
0x14f: {  	s21 =	sand.u32 $0xF00, s20;
	v3 =	vadd.f32 v6, v5  }
0x150: {  	s22 =	sand.u32 $0x40, s19;
	s26 =	sor.u32 s28, s26;
	s21 =	sor.u32 s17, s21  }
0x151: {  	s25 =	sor.u32 $0x10, s22;
	s28 =	sor.u32 s22, s21;
	[tilespmem:s26+$0x0] =	vst v3;
	(xrf1) =	vsort.dscd.msk.f32 $0xffff, v3, v3  }
0x152: {  	v3 =	vld [tilespmem:s28+$0x0]  }
0x153: {  	v5 =	vld [tilespmem:s28+$0x1000]  }
.Ltmp1:
0x154: {  	(pc) =	sbr.rel @p0 .LBB2_5-.Ltmp1, $2  }
0x155: {  	_ =	sdelay $0x2  }
0x156: {  	s24 =	sadd.s32 $0x40, s24;
	v3 =	vadd.f32 v5, v3  }
0x157: {  	_ = 	snop  }
0x158: {  	s20 =	sor.u32 s25, s21;
	[tilespmem:s24+$0x0] =	vst v3  }
0x159: {  	v5 =	vld [tilespmem:s20+$0x0]  }
0x15a: {  	v6 =	vld [tilespmem:s20+$0x1000];
	_ =	sdelay $0x3  }
0x15b: {  	s19 =	sand.u32 $0x780, s19;
	v7, _, _ =	vpop (xrf1)  }
0x15c: {  	s19 =	sor.u32 $0x4000, s19;
	v8, _, _ =	vpop (xrf1);
	v5 =	vadd.f32 v6, v5  }
0x15d: {  	s23 =	sor.u32 $0x20, s22;
	(xrf1) =	vsort.ascd.msk.f32 $0xffff, v4, v4;
	s24 =	sor.u32 s25, s19;
	v2 =	vmax.f32 v2, v8;
	v4, _, _ =	vpop (xrf1)  }
0x15e: {  	s25 =	sor.u32 s23, s21;
	(xrf1) =	vsort.ascd.msk.f32 $0xffff, v2, v2;
	v2 =	vmax.f32 v7, v4;
	[tilespmem:s24+$0x0] =	vst v5  }
0x15f: {  	(xrf1) =	vsort.dscd.msk.f32 $0xffff, v2, v2;
	v2 =	vld [tilespmem:s25+$0x0]  }
0x160: {  	v4 =	vld [tilespmem:s25+$0x1000];
	_ =	sdelay $0x4  }
0x161: {  	v2 =	vadd.f32 v4, v2  }
0x162: {  	s28 =	sor.u32 $0x30, s22;
	s26 =	sor.u32 s23, s19  }
0x163: {  	s23 =	sor.u32 s28, s21;
	[tilespmem:s26+$0x0] =	vst v2  }
0x164: {  	v4 =	vld [tilespmem:s23+$0x0]  }
0x165: {  	v6 =	vld [tilespmem:s23+$0x1000];
	_ =	sdelay $0x1  }
0x166: {  	v7, _, _ =	vpop (xrf1)  }
0x167: {  	(xrf1) =	vsort.ascd.msk.f32 $0xffff, v3, v3;
	v3, _, _ =	vpop (xrf1)  }
0x168: {  	(xrf1) =	vsort.dscd.msk.f32 $0xffff, v5, v5;
	v5, _, _ =	vpop (xrf1)  }
0x169: {  	(xrf1) =	vsort.ascd.msk.f32 $0xffff, v2, v2;
	v2 =	vmax.f32 v7, v5;
	v4 =	vadd.f32 v6, v4  }
0x16a: {  	(xrf1) =	vsort.dscd.msk.f32 $0xffff, v2, v2  }
0x16b: {  	(xrf1) =	vsort.dscd.msk.f32 $0xffff, v4, v4;
	_ =	sdelay $0x9  }
0x16c: {  	v2, _, _ =	vpop (xrf1)  }
0x16d: {  	v5, _, _ =	vpop (xrf1)  }
0x16e: {  	v6, _, _ =	vpop (xrf1)  }
0x16f: {  	v2 =	vmax.f32 v2, v5;
	v5, _, _ =	vpop (xrf1)  }
0x170: {  	(xrf1) =	vsort.ascd.msk.f32 $0xffff, v2, v2;
	v2 =	vmax.f32 v3, v5;
	v3, _, _ =	vpop (xrf1)  }
0x171: {  	(xrf1) =	vsort.ascd.msk.f32 $0xffff, v2, v2;
	v2 =	vmax.f32 v6, v3  }
0x172: {  	(xrf1) =	vsort.dscd.msk.f32 $0xffff, v2, v2;
	_ =	sdelay $0xb  }
0x173: {  	v2, _, _ =	vpop (xrf1)  }
0x174: {  	v3, _, _ =	vpop (xrf1)  }
0x175: {  	v5, _, _ =	vpop (xrf1)  }
0x176: {  	v2 =	vmax.f32 v2, v5  }
0x177: {  	(xrf1) =	vsort.dscd.msk.f32 $0xffff, v2, v2;
	_ =	sdelay $0xd  }
0x178: {  	v2, _, _ =	vpop (xrf1)  }
0x179: {  	v2 =	vmax.f32 v3, v2  }
0x17a: {  	(xrf1) =	vsort.ascd.msk.f32 $0xffff, v2, v2;
	_ =	sdelay $0xd  }
0x17b: {  	v3, _, _ =	vpop (xrf1)  }
0x17c: {  	(xrf0) =	vmin.scan.msk.f32 $0xffff, v3;
	_ =	sdelay $0x4  }
0x17d: {  	p0 =	slt.u32 s16, $0x2;
	s19 =	sor.u32 s28, s19  }
0x17e: {  	[tilespmem:s19+$0x0] =	vst v4;
	s19 =	simm.s32 @!p0 $0x2;
	v2, _, _ =	vpop (xrf0)  }
0x17f: {  	_ =	swait.ge @!p0 [sflag:s19], $0x800  }
0x180: {  	[sflag:s19] =	ssyncset.done @!p0 $0x0  }
0x181: {  	[sflag:s19] =	ssyncadd.s32 @!p0 $0xFFFFF800;
	s19 =	simm.s32 $0x4000  }
0x182: {  	v4 =	vld [tilespmem:s19+$0x0];
	_ =	sdelay $0x2  }
0x183: {  	v2 =	vbroadcast v2, $0xF;
	_ =	sdelay $0x1  }
0x184: {  	s20 =	simm.s32 $0x0;
	vm0 =	veq.f32 v4, v2  }
0x185: {  	s24 =	sand.u32 $0xF00, s20;
	v5 =	vsel vm0, $0x1, v0  }
0x186: {  	s22 =	sand.u32 $0x40, s20;
	s21 =	sor.u32 s17, s24;
	(xrf0) =	vadd.scan.msk.s32 $0xffff, v5  }
0x187: {  	s25 =	sor.u32 s22, s21  }
0x188: {  	v5 =	vld [tilespmem:s25+$0x2000]  }
0x189: {  	vm1 =	vgt.f32 v3, v2  }
0x18a: {  	v3 =	vmpcnt.ones.xlane vm1;
	_ =	sdelay $0x1  }
0x18b: {  	v6 =	vimm.s32 $0x0;
	v3 =	vsub.s32 $0x10, v3;
	v7, _, _ =	vpop (xrf0)  }
0x18c: {  	vm1 =	vgt.f32 v4, v2;
	vm2 =	vlt.f32 v5, $0.0e+00;
	v4 =	vadd.s32 v6, v7  }
0x18d: {  	vm4 =	vgt.f32 v5, $0.0e+00;
	v7 =	vand.u32 $0x80000000, v5;
	vm3 =	vle.s32 v4, v3  }
0x18e: {  	vm2 =	vmor vm4, vm2;
	v4 =	vor.u32 v7, v1;
	vm3 =	vmand vm0, vm3  }
0x18f: {  	s26 =	sand.u32 $0x780, s20;
	v4 =	vsel vm2, v4, v5;
	vm1 =	vmor vm1, vm3  }
0x190: {  	s28 =	sor.u32 $0x10, s22;
	s24 =	sor.u32 $0x4000, s26;
	v4 =	vnsel vm1, $0x0, v4  }
0x191: {  	s26 =	sor.u32 s28, s24;
	[tilespmem:s25+$0x3000] =	vst v4  }
0x192: {  	v4 =	vld [tilespmem:s26+$0x0];
	_ =	sdelay $0x4  }
0x193: {  	vm1 =	veq.f32 v4, v2  }
0x194: {  	v5 =	vsel vm1, $0x1, v0  }
0x195: {  	(xrf0) =	vadd.scan.msk.s32 $0xffff, v5  }
0x196: {  	s25 =	sor.u32 s28, s21  }
0x197: {  	v7 =	vmpcnt.ones.xlane vm0;
	v5 =	vld [tilespmem:s25+$0x2000];
	_ =	sdelay $0x3  }
0x198: {  	v6 =	vadd.s32 v6, v7;
	v7, _, _ =	vpop (xrf0)  }
0x199: {  	vm15 =	vgt.f32 v4, v2;
	v61 =	vand.u32 $0x80000000, v5;
	v7 =	vadd.s32 v6, v7  }
0x19a: {  	vm0 =	vlt.f32 v5, $0.0e+00;
	vm3 =	vgt.f32 v5, $0.0e+00;
	vm2 =	vle.s32 v7, v3  }
0x19b: {  	vm0 =	vmor vm3, vm0;
	v7 =	vor.u32 v61, v1;
	vm2 =	vmand vm1, vm2  }
0x19c: {  	v4 =	vsel vm0, v7, v5;
	vm2 =	vmor vm15, vm2  }
0x19d: {  	s26 =	sor.u32 $0x20, s22;
	v4 =	vnsel vm2, $0x0, v4  }
0x19e: {  	s28 =	sor.u32 s26, s24;
	[tilespmem:s25+$0x3000] =	vst v4  }
0x19f: {  	v4 =	vld [tilespmem:s28+$0x0];
	_ =	sdelay $0x4  }
0x1a0: {  	vm0 =	veq.f32 v4, v2  }
0x1a1: {  	v5 =	vsel vm0, $0x1, v0  }
0x1a2: {  	(xrf0) =	vadd.scan.msk.s32 $0xffff, v5  }
0x1a3: {  	s26 =	sor.u32 s26, s21  }
0x1a4: {  	v7 =	vmpcnt.ones.xlane vm1;
	v5 =	vld [tilespmem:s26+$0x2000];
	_ =	sdelay $0x3  }
0x1a5: {  	v6 =	vadd.s32 v6, v7;
	v7, _, _ =	vpop (xrf0)  }
0x1a6: {  	v62 =	vand.u32 $0x80000000, v5;
	vm1 =	vlt.f32 v5, $0.0e+00;
	v7 =	vadd.s32 v6, v7  }
0x1a7: {  	vm2 =	vgt.f32 v5, $0.0e+00;
	v8 =	vor.u32 v62, v1;
	vm3 =	vle.s32 v7, v3  }
0x1a8: {  	vm1 =	vmor vm2, vm1;
	vm2 =	vgt.f32 v4, v2;
	vm3 =	vmand vm0, vm3  }
0x1a9: {  	v4 =	vsel vm1, v8, v5;
	vm1 =	vmor vm2, vm3  }
0x1aa: {  	s22 =	sor.u32 $0x30, s22;
	v4 =	vnsel vm1, $0x0, v4  }
0x1ab: {  	s28 =	sor.u32 s22, s24;
	[tilespmem:s26+$0x3000] =	vst v4  }
0x1ac: {  	v4 =	vld [tilespmem:s28+$0x0];
	_ =	sdelay $0x4  }
0x1ad: {  	vm1 =	veq.f32 v4, v2  }
0x1ae: {  	v5 =	vsel vm1, $0x1, v0  }
0x1af: {  	(xrf0) =	vadd.scan.msk.s32 $0xffff, v5  }
0x1b0: {  	s22 =	sor.u32 s22, s21  }
0x1b1: {  	v7 =	vmpcnt.ones.xlane vm0;
	v5 =	vld [tilespmem:s22+$0x2000];
	_ =	sdelay $0x3  }
0x1b2: {  	v6 =	vadd.s32 v6, v7;
	v9 =	vmpcnt.ones.xlane vm1;
	v7, _, _ =	vpop (xrf0)  }
0x1b3: {  	v63 =	vand.u32 $0x80000000, v5;
	vm0 =	vlt.f32 v5, $0.0e+00;
	v7 =	vadd.s32 v6, v7  }
0x1b4: {  	vm2 =	vgt.f32 v5, $0.0e+00;
	v8 =	vor.u32 v63, v1;
	vm3 =	vle.s32 v7, v3  }
0x1b5: {  	vm0 =	vmor vm2, vm0;
	vm2 =	vgt.f32 v4, v2;
	vm1 =	vmand vm1, vm3  }
0x1b6: {  	s16 =	sshll.u32 s16, $0x4;
	s21 =	simm.s32 $0x40;
	v4 =	vadd.s32 v6, v9;
	v5 =	vsel vm0, v8, v5;
	vm0 =	vmor vm2, vm1  }
.LBB2_7:
0x1b7: {  	p0 =	sne.s32 s21, $0x7C0;
	v5 =	vnsel vm0, $0x0, v5;
	s20 =	sadd.s32 $0x80, s20;
	s19 =	sadd.s32 $0x40, s19  }
0x1b8: {  	s24 =	smov.u32 s21;
	s21 =	sadd.s32 $0x40, s21;
	[tilespmem:s22+$0x3000] =	vst v5  }
0x1b9: {  	v5 =	vld [tilespmem:s19+$0x0];
	_ =	sdelay $0x4  }
0x1ba: {  	vm0 =	veq.f32 v5, v2  }
0x1bb: {  	s22 =	sand.u32 $0xF00, s20;
	v6 =	vsel vm0, $0x1, v0;
	v7 =	vmpcnt.ones.xlane vm0  }
0x1bc: {  	s23 =	sand.u32 $0x40, s24;
	s22 =	sor.u32 s17, s22;
	(xrf0) =	vadd.scan.msk.s32 $0xffff, v6  }
0x1bd: {  	s25 =	sor.u32 s23, s22  }
0x1be: {  	v6 =	vld [tilespmem:s25+$0x2000];
	_ =	sdelay $0x3  }
0x1bf: {  	vm1 =	vgt.f32 v5, v2;
	v5, _, _ =	vpop (xrf0)  }
0x1c0: {  	v5 =	vadd.s32 v4, v5;
	v8 =	vand.u32 $0x80000000, v6;
	vm2 =	vlt.f32 v6, $0.0e+00  }
0x1c1: {  	vm4 =	vgt.f32 v6, $0.0e+00;
	vm3 =	vle.s32 v5, v3;
	v5 =	vor.u32 v8, v1  }
0x1c2: {  	s24 =	sand.u32 $0x780, s24;
	vm2 =	vmor vm4, vm2;
	vm0 =	vmand vm0, vm3  }
0x1c3: {  	s26 =	sor.u32 $0x10, s23;
	s24 =	sor.u32 $0x4000, s24;
	v5 =	vsel vm2, v5, v6;
	vm0 =	vmor vm1, vm0  }
0x1c4: {  	s28 =	sor.u32 s26, s24;
	v5 =	vnsel vm0, $0x0, v5  }
0x1c5: {  	[tilespmem:s25+$0x3000] =	vst v5  }
0x1c6: {  	v5 =	vld [tilespmem:s28+$0x0];
	_ =	sdelay $0x4  }
0x1c7: {  	vm0 =	veq.f32 v5, v2  }
0x1c8: {  	v6 =	vsel vm0, $0x1, v0;
	v8 =	vmpcnt.ones.xlane vm0  }
0x1c9: {  	(xrf0) =	vadd.scan.msk.s32 $0xffff, v6  }
0x1ca: {  	s25 =	sor.u32 s26, s22  }
0x1cb: {  	v6 =	vld [tilespmem:s25+$0x2000];
	_ =	sdelay $0x3  }
0x1cc: {  	v4 =	vadd.s32 v4, v7;
	v7, _, _ =	vpop (xrf0)  }
0x1cd: {  	v7 =	vadd.s32 v4, v7;
	v9 =	vand.u32 $0x80000000, v6;
	vm1 =	vlt.f32 v6, $0.0e+00  }
0x1ce: {  	vm3 =	vgt.f32 v6, $0.0e+00;
	vm2 =	vle.s32 v7, v3;
	v7 =	vor.u32 v9, v1  }
0x1cf: {  	vm4 =	vgt.f32 v5, v2;
	vm1 =	vmor vm3, vm1;
	vm0 =	vmand vm0, vm2  }
0x1d0: {  	v5 =	vsel vm1, v7, v6;
	vm0 =	vmor vm4, vm0  }
0x1d1: {  	s26 =	sor.u32 $0x20, s23;
	v5 =	vnsel vm0, $0x0, v5  }
0x1d2: {  	[tilespmem:s25+$0x3000] =	vst v5;
	s25 =	sor.u32 s26, s24  }
0x1d3: {  	v5 =	vld [tilespmem:s25+$0x0];
	s25 =	sor.u32 s26, s22  }
0x1d4: {  	v6 =	vld [tilespmem:s25+$0x2000];
	_ =	sdelay $0x3  }
0x1d5: {  	vm0 =	veq.f32 v5, v2  }
0x1d6: {  	v7 =	vsel vm0, $0x1, v0;
	v9 =	vand.u32 $0x80000000, v6;
	vm1 =	vlt.f32 v6, $0.0e+00  }
0x1d7: {  	vm2 =	vgt.f32 v6, $0.0e+00;
	v10 =	vmpcnt.ones.xlane vm0;
	v9 =	vor.u32 v9, v1;
	(xrf0) =	vadd.scan.msk.s32 $0xffff, v7  }
0x1d8: {  	vm1 =	vmor vm2, vm1  }
0x1d9: {  	v6 =	vsel vm1, v9, v6;
	_ =	sdelay $0x3  }
0x1da: {  	v4 =	vadd.s32 v4, v8;
	v7, _, _ =	vpop (xrf0)  }
0x1db: {  	v7 =	vadd.s32 v4, v7  }
0x1dc: {  	vm1 =	vle.s32 v7, v3  }
0x1dd: {  	vm2 =	vgt.f32 v5, v2;
	vm0 =	vmand vm0, vm1  }
0x1de: {  	vm0 =	vmor vm2, vm0  }
0x1df: {  	s23 =	sor.u32 $0x30, s23;
	v5 =	vnsel vm0, $0x0, v6  }
0x1e0: {  	s24 =	sor.u32 s23, s24;
	[tilespmem:s25+$0x3000] =	vst v5  }
0x1e1: {  	s22 =	sor.u32 s23, s22;
	v6 =	vld [tilespmem:s24+$0x0]  }
0x1e2: {  	v5 =	vld [tilespmem:s22+$0x2000];
	_ =	sdelay $0x3  }
0x1e3: {  	vm0 =	veq.f32 v6, v2  }
0x1e4: {  	v7 =	vsel vm0, $0x1, v0;
	v8 =	vand.u32 $0x80000000, v5;
	vm1 =	vlt.f32 v5, $0.0e+00  }
0x1e5: {  	vm2 =	vgt.f32 v5, $0.0e+00;
	v9 =	vmpcnt.ones.xlane vm0;
	v8 =	vor.u32 v8, v1;
	(xrf0) =	vadd.scan.msk.s32 $0xffff, v7  }
0x1e6: {  	v7 =	vadd.s32 v4, v10;
	vm1 =	vmor vm2, vm1  }
0x1e7: {  	v5 =	vsel vm1, v8, v5;
	v4 =	vadd.s32 v7, v9;
	_ =	sdelay $0x3  }
.Ltmp2:
0x1e8: {  	v8, _, _ =	vpop (xrf0);
	(pc) =	sbr.rel @p0 .LBB2_7-.Ltmp2, $4  }
0x1e9: {  	v7 =	vadd.s32 v7, v8  }
0x1ea: {  	vm1 =	vle.s32 v7, v3  }
0x1eb: {  	vm2 =	vgt.f32 v6, v2;
	vm0 =	vmand vm0, vm1  }
0x1ec: {  	vm0 =	vmor vm2, vm0  }
0x1ed: {  	v2 =	vnsel vm0, $0x0, v5  }
0x1ee: {  	s16 =	sadd.s32 s16, s10;
	s19 =	sor.u32 $0x3000, s17;
	[tilespmem:s22+$0x3000] =	vst v2  }
0x1ef: {  	[hbm4b:s16+s5] =	stream.linear.scatter [tilespmem:s19], [sflag:$0x2], $0x80, $0x38;
	[tilespmem:$0x4800] =	vst v63  }
0x1f0: {  	s23 =	sor.u32 $0x3100, s17;
	s20 =	sadd.s32 $0x80, s16  }
0x1f1: {  	[hbm4b:s20+s5] =	stream.linear.scatter [tilespmem:s23], [sflag:$0x2], $0x80, $0x38;
	[tilespmem:$0x4800] =	vst v63  }
0x1f2: {  	s24 =	sor.u32 $0x3200, s17;
	s25 =	sadd.s32 $0x100, s16  }
0x1f3: {  	[hbm4b:s25+s5] =	stream.linear.scatter [tilespmem:s24], [sflag:$0x2], $0x80, $0x38;
	[tilespmem:$0x4800] =	vst v63  }
0x1f4: {  	s26 =	sor.u32 $0x3300, s17;
	s28 =	sadd.s32 $0x180, s16  }
0x1f5: {  	[hbm4b:s28+s5] =	stream.linear.scatter [tilespmem:s26], [sflag:$0x2], $0x80, $0x38;
	[tilespmem:$0x4800] =	vst v63  }
0x1f6: {  	s21 =	sadd.s32 $0x200, s16;
	s20 =	sor.u32 $0x3400, s17  }
0x1f7: {  	[hbm4b:s21+s5] =	stream.linear.scatter [tilespmem:s20], [sflag:$0x2], $0x80, $0x38;
	[tilespmem:$0x4800] =	vst v63  }
0x1f8: {  	s22 =	sor.u32 $0x3500, s17;
	s23 =	sadd.s32 $0x280, s16  }
0x1f9: {  	[hbm4b:s23+s5] =	stream.linear.scatter [tilespmem:s22], [sflag:$0x2], $0x80, $0x38;
	[tilespmem:$0x4800] =	vst v63  }
0x1fa: {  	s24 =	sor.u32 $0x3600, s17;
	s25 =	sadd.s32 $0x300, s16  }
0x1fb: {  	[hbm4b:s25+s5] =	stream.linear.scatter [tilespmem:s24], [sflag:$0x2], $0x80, $0x38;
	[tilespmem:$0x4800] =	vst v63  }
0x1fc: {  	s26 =	sor.u32 $0x3700, s17;
	s28 =	sadd.s32 $0x380, s16  }
0x1fd: {  	[hbm4b:s28+s5] =	stream.linear.scatter [tilespmem:s26], [sflag:$0x2], $0x80, $0x38;
	[tilespmem:$0x4800] =	vst v63  }
0x1fe: {  	s20 =	sor.u32 $0x3800, s17;
	s21 =	sadd.s32 $0x400, s16  }
0x1ff: {  	[hbm4b:s21+s5] =	stream.linear.scatter [tilespmem:s20], [sflag:$0x2], $0x80, $0x38;
	[tilespmem:$0x4800] =	vst v63  }
0x200: {  	s22 =	sor.u32 $0x3900, s17;
	s23 =	sadd.s32 $0x480, s16  }
0x201: {  	[hbm4b:s23+s5] =	stream.linear.scatter [tilespmem:s22], [sflag:$0x2], $0x80, $0x38;
	[tilespmem:$0x4800] =	vst v63  }
0x202: {  	s24 =	sor.u32 $0x3A00, s17;
	s25 =	sadd.s32 $0x500, s16  }
0x203: {  	[hbm4b:s25+s5] =	stream.linear.scatter [tilespmem:s24], [sflag:$0x2], $0x80, $0x38;
	[tilespmem:$0x4800] =	vst v63  }
0x204: {  	s26 =	sor.u32 $0x3B00, s17;
	s28 =	sadd.s32 $0x580, s16  }
0x205: {  	[hbm4b:s28+s5] =	stream.linear.scatter [tilespmem:s26], [sflag:$0x2], $0x80, $0x38;
	[tilespmem:$0x4800] =	vst v63  }
0x206: {  	s21 =	sor.u32 $0x3C00, s17;
	s22 =	sadd.s32 $0x600, s16  }
0x207: {  	[hbm4b:s22+s5] =	stream.linear.scatter [tilespmem:s21], [sflag:$0x2], $0x80, $0x38;
	[tilespmem:$0x4800] =	vst v63  }
0x208: {  	p0 =	sne.s32 s18, $0x8;
	s23 =	sor.u32 $0x3D00, s17;
	s24 =	sadd.s32 $0x680, s16  }
0x209: {  	[hbm4b:s24+s5] =	stream.linear.scatter [tilespmem:s23], [sflag:$0x2], $0x80, $0x38;
	[tilespmem:$0x4800] =	vst v63  }
.Ltmp3:
0x20a: {  	s25 =	sor.u32 $0x3E00, s17;
	s26 =	sadd.s32 $0x700, s16;
	(pc) =	sbr.rel @p0 .LBB2_2-.Ltmp3, $4  }
0x20b: {  	[hbm4b:s26+s5] =	stream.linear.scatter [tilespmem:s25], [sflag:$0x2], $0x80, $0x38;
	[tilespmem:$0x4800] =	vst v63  }
0x20c: {  	s28 =	sor.u32 $0x3F00, s17;
	s16 =	sadd.s32 $0x780, s16  }
0x20d: {  	[hbm4b:s16+s5] =	stream.linear.scatter [tilespmem:s28], [sflag:$0x2], $0x80, $0x38;
	[tilespmem:$0x4800] =	vst v63  }
0x20e: {  	s16 =	smov.u32 s18  }
0x20f: {  	_ =	swait.ge [sflag:s14], $0x800  }
0x210: {  	[sflag:s14] =	ssyncset.done $0x0  }
0x211: {  	[sflag:s14] =	ssyncadd.s32 $0xFFFFF800  }
0x212: {  	_ =	swait.ge [sflag:s14], $0x800  }
0x213: {  	s15 =	sadd.s32 $0x1, s15;
	s16 =	rddreg [dreg:$0x5]  }
0x214: {  	p0 =	sne.s32 s15, s16  }
.Ltmp4:
0x215: {  	_ = 	snop;
	(pc) =	sbr.rel @p0 .LBB2_1-.Ltmp4, $3  }
0x216: {  	_ =	sdelay $0x1  }
0x217: {  	[sflag:s14] =	ssyncset.done $0x0  }
0x218: {  	[sflag:s14] =	ssyncadd.s32 $0xFFFFF800  }
0x219: {  	_ =	sfence.sel $0x180000  }
0x21a: {  	[bflag:$0x0] =	sbarrier.arrive $0xFFFF  }
0x21b: {  	_ =	strace $0x90000047  }
0x21c: {  	s0 =	stileid.u32;
	[bflag:$0x2] =	sbarrier.arrive $0xFFFF  }
0x21d: {  	p0 =	sne.s32 s0, $0x0;
	s0 =	rddreg [dreg:$0x4]  }
0x21e: {  	s0 =	sadd.s32 @!p0 $0x100000, s0  }
0x21f: {  	[sflag:s0] =	ssyncadd.tile.s32 @!p0 $0x1;
	_ =	shalt  }
.Lfunc_end2:
_tile_overlayer_lowered:
.L_overlay_start_2:
0x220: {  	(tag) =	ssettag $0x2  }
0x221: {  	s0 =	rddreg [dreg:$0x0];
	s2 =	stileid.u32  }
0x222: {  	s1 =	rddreg [dreg:$0x1];
	p0 =	sne.s32 s2, $0x0  }
0x223: {  	s3 =	rddreg [dreg:$0x2];
	[bflag:$0x3] =	sbarrier.arrive $0xFFFF;
	s2 =	simm.s32 @!p0 $0x1C03  }
0x224: {  	[timem:s3], [sflag:s2] =	dma.local @!p0 [hbm:s0], s1  }
0x225: {  	s0 =	simm.s32 @!p0 $0x3  }
0x226: {  	_ =	swait.ge @!p0 [sflag:s0], s1  }
0x227: {  	s1 =	ssub.s32 @!p0 $0x0, s1;
	[sflag:s0] =	ssyncset.done @!p0 $0x0  }
0x228: {  	[sflag:s0] =	ssyncadd.s32 @!p0 s1  }
0x229: {  	[bflag:$0x3] =	sbarrier.arrive $0xFFFF  }
0x22a: {  	_ =	shalt  }

</sc_bundles>
